<compile_context>
chip_gen: v7x
topology: tpu7x:2x2x1
jax: 0.10.2.dev20260603
libtpu: 0.0.44.dev20260713+nightly
codegen_flags: <defaults>
</compile_context>

<pallas_src>
import functools

import jax
import jax.numpy as jnp
from jax import lax
from jax.experimental import pallas as pl
from jax.experimental.pallas import tpu as pltpu
from jax.experimental.pallas import tpu_sc as plsc

NUM_STEPS = 8
BATCH = 256
VOCAB = 10000
EMB = 512
HID = 1024
N_CACHE = 8192
DK = 256
DV = 256
TOP_K = 8

ROWS = NUM_STEPS * BATCH


def _emb_gather(emb, ids):
    info = plsc.get_sparse_core_info()
    nc = info.num_cores
    nw = nc * info.num_subcores
    b_per_w = ROWS // nw
    mesh = plsc.VectorSubcoreMesh(core_axis_name="c", subcore_axis_name="s")

    @functools.partial(
        pl.kernel,
        mesh=mesh,
        out_type=jax.ShapeDtypeStruct((ROWS, EMB), jnp.float32),
        scratch_types=[
            pltpu.VMEM((b_per_w,), jnp.int32),
            pltpu.VMEM((b_per_w, EMB), jnp.float32),
            pltpu.SemaphoreType.DMA,
        ],
    )
    def gather_kernel(table_hbm, idx_hbm, out_hbm, idx_v, rows_v, sem):
        wid = lax.axis_index("s") * nc + lax.axis_index("c")
        base = wid * b_per_w
        pltpu.sync_copy(idx_hbm.at[pl.ds(base, b_per_w)], idx_v)
        pltpu.async_copy(table_hbm.at[idx_v], rows_v, sem).wait()
        pltpu.sync_copy(rows_v, out_hbm.at[pl.ds(base, b_per_w)])

    return gather_kernel(emb, ids)


def _retrieval_body(x_ref, wq_ref, ck_ref, cv_ref, wx_ref, wr_ref, b_ref, h_ref):
    x = x_ref[...]
    q = jnp.dot(x, wq_ref[...])
    scores = lax.dot_general(q, ck_ref[...], (((1,), (1,)), ((), ())))
    neg_inf = jnp.float32(-jnp.inf)
    NCHUNK = 16
    CW = N_CACHE // NCHUNK
    NPC = 4
    ms = []
    for c in range(NCHUNK):
        tc = scores[:, c * CW:(c + 1) * CW]
        prev = jnp.max(tc, axis=1, keepdims=True)
        ms.append(prev)
        for _ in range(NPC - 1):
            prev = jnp.max(jnp.where(tc < prev, tc, neg_inf), axis=1,
                           keepdims=True)
            ms.append(prev)
    cand = jnp.concatenate(ms, axis=1)
    prev = jnp.max(cand, axis=1, keepdims=True)
    for _ in range(TOP_K - 1):
        prev = jnp.max(jnp.where(cand < prev, cand, neg_inf), axis=1,
                       keepdims=True)
    tau = prev
    e = jnp.where(scores >= tau, jnp.exp(scores), jnp.float32(0.0))
    z = jnp.sum(jnp.where(cand >= tau, jnp.exp(cand), jnp.float32(0.0)),
                axis=1, keepdims=True)
    read = jnp.dot(e, cv_ref[...]) / z
    h_ref[...] = jnp.tanh(
        jnp.dot(x, wx_ref[...]) + jnp.dot(read, wr_ref[...]) + b_ref[...]
    ).astype(jnp.bfloat16)


def _retrieval(x, Wq, ck, cv, Wx, Wr, b):
    return pl.pallas_call(
        _retrieval_body,
        grid=(NUM_STEPS,),
        in_specs=[
            pl.BlockSpec((BATCH, EMB), lambda i: (i, 0)),
            pl.BlockSpec((EMB, DK), lambda i: (0, 0)),
            pl.BlockSpec((N_CACHE, DK), lambda i: (0, 0)),
            pl.BlockSpec((N_CACHE, DV), lambda i: (0, 0)),
            pl.BlockSpec((EMB, HID), lambda i: (0, 0)),
            pl.BlockSpec((DV, HID), lambda i: (0, 0)),
            pl.BlockSpec((1, HID), lambda i: (0, 0)),
        ],
        out_specs=pl.BlockSpec((BATCH, HID), lambda i: (i, 0)),
        out_shape=jax.ShapeDtypeStruct((ROWS, HID), jnp.bfloat16),
    )(x, Wq, ck, cv, Wx, Wr, b.reshape(1, HID))


def _logits_body(h_ref, wtT_ref, btT_ref, out_ref):
    res = lax.dot_general(
        wtT_ref[...].astype(jnp.bfloat16), h_ref[...],
        (((1,), (1,)), ((), ())), preferred_element_type=jnp.float32)
    res = res + btT_ref[...]
    for s in range(NUM_STEPS):
        out_ref[s] = res[:, s * BATCH:(s + 1) * BATCH]


def _logits(h, Wt, bt):
    VB = 1024
    return pl.pallas_call(
        _logits_body,
        grid=(pl.cdiv(VOCAB, VB),),
        in_specs=[
            pl.BlockSpec((ROWS, HID), lambda j: (0, 0)),
            pl.BlockSpec((VB, HID), lambda j: (j, 0)),
            pl.BlockSpec((VB, 1), lambda j: (j, 0)),
        ],
        out_specs=pl.BlockSpec((NUM_STEPS, VB, BATCH), lambda j: (0, j, 0)),
        out_shape=jax.ShapeDtypeStruct((NUM_STEPS, VOCAB, BATCH), jnp.float32),
    )(h, Wt.T, bt.reshape(VOCAB, 1))


def kernel(inputs, emb, Wq, Wx, Wr, b, cache_keys, cache_values, Wt, bt):
    ids = jnp.asarray(inputs, jnp.int32).reshape(ROWS)
    x = _emb_gather(emb, ids)
    h = _retrieval(x, Wq, cache_keys, cache_values, Wx, Wr, b)
    logits = _logits(h, Wt, bt)
    return jnp.transpose(logits, (0, 2, 1))

# --- scband reference (transcript-rebuilt; emitter-appended) ---
"""Pipeline reference for scband-cranmodel-37641093382852 (READ-ONLY COPY).

The authoritative reference and input builder live on the scoring server;
editing this copy changes nothing except your own understanding.
"""

import jax, jax.numpy as jnp
import numpy as np

NUM_STEPS = 8
BATCH = 256
VOCAB = 10000
EMB = 512
HID = 1024
N_CACHE = 8192
DK = 256
DV = 256
TOP_K = 8


def setup_inputs(seed: int = 0) -> dict:
    key = jax.random.key(seed)
    ks = jax.random.split(key, 11)
    inputs = jax.random.randint(ks[0], (NUM_STEPS, BATCH), 0, VOCAB)
    emb = jax.random.normal(ks[1], (VOCAB, EMB), dtype=jnp.float32) * 0.02
    Wq = jax.random.normal(ks[2], (EMB, DK), dtype=jnp.float32) * 0.02
    Wx = jax.random.normal(ks[3], (EMB, HID), dtype=jnp.float32) * 0.02
    Wr = jax.random.normal(ks[4], (DV, HID), dtype=jnp.float32) * 0.02
    b = jnp.zeros((HID,), dtype=jnp.float32)
    cache_keys = jax.random.normal(ks[5], (N_CACHE, DK), dtype=jnp.float32) * 0.02
    cache_values = jax.random.normal(ks[6], (N_CACHE, DV), dtype=jnp.float32) * 0.02
    Wt = jax.random.normal(ks[7], (HID, VOCAB), dtype=jnp.float32) * 0.02
    bt = jnp.zeros((VOCAB,), dtype=jnp.float32)
    return {
        'inputs': inputs,
        'emb': emb,
        'Wq': Wq,
        'Wx': Wx,
        'Wr': Wr,
        'b': b,
        'cache_keys': cache_keys,
        'cache_values': cache_values,
        'Wt': Wt,
        'bt': bt,
    }


def _cran_unit(xs, Wq, Wx, Wr, b, cache_keys, cache_values):
    # CRANUnit: query projection, top-k cache retrieval, gated hidden update
    q = xs @ Wq                                  # [B, DK]
    scores = q @ cache_keys.T                    # [B, N] knn scores
    topv, topi = jax.lax.top_k(scores, TOP_K)    # select top-k cache slots
    w = jax.nn.softmax(topv, axis=-1)            # [B, k]
    gathered = jnp.take(cache_values, topi, axis=0)  # [B, k, DV]
    read = jnp.sum(gathered * w[..., None], axis=1)  # [B, DV]
    h = jnp.tanh(xs @ Wx + read @ Wr + b)        # [B, HID]
    return h


def reference(inputs, emb, Wq, Wx, Wr, b, cache_keys, cache_values, Wt, bt):
    # self.embeddings(inputs)
    x = jnp.take(emb, inputs, axis=0)            # [S, B, EMB]
    # _build_graph: loop over num_steps, stack cranunit outputs
    outs = []
    for step in range(NUM_STEPS):
        outs.append(_cran_unit(x[step], Wq, Wx, Wr, b, cache_keys, cache_values))
    hiddens = jnp.stack(outs, axis=0)            # [S, B, HID]
    # self.hidden2tag(hiddens)
    logits = hiddens @ Wt + bt                   # [S, B, VOCAB]
    return logits

if __name__ == "__main__":
    import jax
    _d = setup_inputs()
    print(jax.jit(kernel)(*tuple(_d.values())))

</pallas_src>

<mosaic_0001>
#map = affine_map<(d0, d1) -> (0, 0)>
#map1 = affine_map<(d0, d1) -> (0)>
module attributes {stable_mosaic.version = 14 : i64} {
  func.func @gather_kernel(%arg0: i32, %arg1: i32, %arg2: memref<10000x512xf32, #tpu.memory_space<hbm>>, %arg3: memref<2048xi32, #tpu.memory_space<hbm>>, %arg4: memref<2048x512xf32, #tpu.memory_space<hbm>>, %arg5: memref<64xi32, #tpu.memory_space<vmem>>, %arg6: memref<64x512xf32, #tpu.memory_space<vmem>>, %arg7: memref<!tpu.dma_semaphore, #tpu.memory_space<semaphore_mem>>) attributes {dimension_semantics = [#tpu.dimension_semantics<core_parallel>, #tpu.dimension_semantics<subcore_parallel>], iteration_bounds = array<i64: 2, 16>, scalar_prefetch = 0 : i64, scratch_operands = 3 : i64, tpu.core_type = #tpu.core_type<sc_vector_subcore>, window_params = [{transform_indices = #map}, {transform_indices = #map1}, {transform_indices = #map}]} {
    %mul3A = arith.constant 2 : i32
    %mul3A_0 = arith.muli %arg1, %mul3A : i32
    %add3A = arith.addi %mul3A_0, %arg0 : i32
    %mul3A_1 = arith.constant 64 : i32
    %mul3A_2 = arith.muli %add3A, %mul3A_1 : i32
    "tpu.region"() ({
      %run_scoped3A = tpu.sem_alloc : memref<!tpu.dma_semaphore, #tpu.memory_space<semaphore_mem>>
      %dma_start3A_7 = tpu.memref_slice %arg3[%mul3A_2] : memref<2048xi32, #tpu.memory_space<hbm>> -> memref<64xi32, #tpu.memory_space<hbm>>
      %dma_start3A_8 = tpu.memref_slice %arg3[%mul3A_2] : memref<2048xi32, #tpu.memory_space<hbm>> -> memref<64xi32, #tpu.memory_space<hbm>>
      tpu.enqueue_dma source(%dma_start3A_8 : memref<64xi32, #tpu.memory_space<hbm>>) target(%arg5 : memref<64xi32, #tpu.memory_space<vmem>>) target_semaphore(%run_scoped3A : memref<!tpu.dma_semaphore, #tpu.memory_space<semaphore_mem>>)
      %dma_wait3A_9 = tpu.memref_slice %arg3[%mul3A_2] : memref<2048xi32, #tpu.memory_space<hbm>> -> memref<64xi32, #tpu.memory_space<hbm>>
      %dma_wait3A_10 = tpu.memref_slice %arg3[%mul3A_2] : memref<2048xi32, #tpu.memory_space<hbm>> -> memref<64xi32, #tpu.memory_space<hbm>>
      tpu.wait_dma2 semaphore(%run_scoped3A : memref<!tpu.dma_semaphore, #tpu.memory_space<semaphore_mem>>) src(%dma_wait3A_10 : memref<64xi32, #tpu.memory_space<hbm>>) dst(%arg5 : memref<64xi32, #tpu.memory_space<vmem>>)
      tpu.yield
    }) : () -> ()
    %dma_start3A = arith.constant 0 : i32
    %dma_start3A_3 = arith.constant 0 : i32
    %dma_start3A_4 = tpu.memref_slice %arg2[%dma_start3A, %dma_start3A_3] : memref<10000x512xf32, #tpu.memory_space<hbm>> -> memref<10000x512xf32, #tpu.memory_space<hbm>>
    tpu.enqueue_indirect_dma source(%dma_start3A_4 : memref<10000x512xf32, #tpu.memory_space<hbm>>) target(%arg6 : memref<64x512xf32, #tpu.memory_space<vmem>>) offsets(%arg5 : memref<64xi32, #tpu.memory_space<vmem>>) semaphore(%arg7 : memref<!tpu.dma_semaphore, #tpu.memory_space<semaphore_mem>>)
    %dma_wait3A = arith.constant 0 : i32
    %dma_wait3A_5 = arith.constant 0 : i32
    %dma_wait3A_6 = tpu.memref_slice %arg2[%dma_wait3A, %dma_wait3A_5] : memref<10000x512xf32, #tpu.memory_space<hbm>> -> memref<10000x512xf32, #tpu.memory_space<hbm>>
    tpu.wait_indirect_dma semaphore(%arg7 : memref<!tpu.dma_semaphore, #tpu.memory_space<semaphore_mem>>) src(%dma_wait3A_6 : memref<10000x512xf32, #tpu.memory_space<hbm>>) dst(%arg6 : memref<64x512xf32, #tpu.memory_space<vmem>>)
    "tpu.region"() ({
      %run_scoped3A = tpu.sem_alloc : memref<!tpu.dma_semaphore, #tpu.memory_space<semaphore_mem>>
      %dma_start3A_7 = arith.constant 0 : i32
      %dma_start3A_8 = tpu.memref_slice %arg4[%mul3A_2, %dma_start3A_7] : memref<2048x512xf32, #tpu.memory_space<hbm>> -> memref<64x512xf32, #tpu.memory_space<hbm>>
      %dma_start3A_9 = arith.constant 0 : i32
      %dma_start3A_10 = tpu.memref_slice %arg4[%mul3A_2, %dma_start3A_9] : memref<2048x512xf32, #tpu.memory_space<hbm>> -> memref<64x512xf32, #tpu.memory_space<hbm>>
      tpu.enqueue_dma source(%arg6 : memref<64x512xf32, #tpu.memory_space<vmem>>) target(%dma_start3A_10 : memref<64x512xf32, #tpu.memory_space<hbm>>) target_semaphore(%run_scoped3A : memref<!tpu.dma_semaphore, #tpu.memory_space<semaphore_mem>>)
      %dma_wait3A_11 = arith.constant 0 : i32
      %dma_wait3A_12 = tpu.memref_slice %arg4[%mul3A_2, %dma_wait3A_11] : memref<2048x512xf32, #tpu.memory_space<hbm>> -> memref<64x512xf32, #tpu.memory_space<hbm>>
      %dma_wait3A_13 = arith.constant 0 : i32
      %dma_wait3A_14 = tpu.memref_slice %arg4[%mul3A_2, %dma_wait3A_13] : memref<2048x512xf32, #tpu.memory_space<hbm>> -> memref<64x512xf32, #tpu.memory_space<hbm>>
      tpu.wait_dma2 semaphore(%run_scoped3A : memref<!tpu.dma_semaphore, #tpu.memory_space<semaphore_mem>>) src(%arg6 : memref<64x512xf32, #tpu.memory_space<vmem>>) dst(%dma_wait3A_14 : memref<64x512xf32, #tpu.memory_space<hbm>>)
      tpu.yield
    }) : () -> ()
    return
  }
}

module attributes {stable_mosaic.version = 14 : i64} {
  func.func @_logits_body(%arg0: i32, %arg1: memref<2048x1024xbf16, #tpu.memory_space<vmem>>, %arg2: memref<1024x1024xf32, #tpu.memory_space<vmem>>, %arg3: memref<1024x1xf32, #tpu.memory_space<vmem>>, %arg4: memref<8x1024x256xf32, #tpu.memory_space<vmem>>) attributes {dimension_semantics = [#tpu.dimension_semantics<arbitrary>], iteration_bounds = array<i64: 10>, scalar_prefetch = 0 : i64, scratch_operands = 0 : i64, tpu.core_type = #tpu.core_type<tc>, window_params = [{pipeline_mode = #tpu.pipeline_mode<synchronous>, transform_indices = @transform_0, window_bounds = array<i64: 2048, 1024>}, {transform_indices = @transform_1, window_bounds = array<i64: 1024, 1024>}, {transform_indices = @transform_2, window_bounds = array<i64: 1024, 1>}, {transform_indices = @transform_3, window_bounds = array<i64: 8, 1024, 256>}]} {
    %get3A = arith.constant 0 : index
    %get3A_0 = arith.constant 0 : index
    %get3A_1 = vector.load %arg2[%get3A, %get3A_0] : memref<1024x1024xf32, #tpu.memory_space<vmem>>, vector<1024x1024xf32>
    %convert_element_type3A = arith.truncf %get3A_1 : vector<1024x1024xf32> to vector<1024x1024xbf16>
    %get3A_2 = arith.constant 0 : index
    %get3A_3 = arith.constant 0 : index
    %get3A_4 = vector.load %arg1[%get3A_2, %get3A_3] : memref<2048x1024xbf16, #tpu.memory_space<vmem>>, vector<2048x1024xbf16>
    %dot_general3A = arith.constant dense<0.000000e+00> : vector<1024x2048xf32>
    %dot_general3A_5 = tpu.matmul %convert_element_type3A, %get3A_4, %dot_general3A {dimension_numbers = #tpu.dot_dimension_numbers<[1], [1], [0], [0], [0, 0, 1, 0], [], []>, transpose_lhs_hint = false} : vector<1024x1024xbf16>, vector<2048x1024xbf16>, vector<1024x2048xf32> -> vector<1024x2048xf32>
    %get3A_6 = arith.constant 0 : index
    %get3A_7 = arith.constant 0 : index
    %get3A_8 = vector.load %arg3[%get3A_6, %get3A_7] : memref<1024x1xf32, #tpu.memory_space<vmem>>, vector<1024x1xf32>
    %add3A = vector.broadcast %get3A_8 : vector<1024x1xf32> to vector<1024x2048xf32>
    %add3A_9 = arith.addf %dot_general3A_5, %add3A : vector<1024x2048xf32>
    %slice3A = vector.extract_strided_slice %add3A_9 {offsets = [0, 0], sizes = [1024, 256], strides = [1, 1]} : vector<1024x2048xf32> to vector<1024x256xf32>
    %swap3A = arith.constant 0 : index
    %swap3A_10 = arith.constant 0 : index
    %swap3A_11 = arith.constant 0 : index
    %swap3A_12 = vector.load %arg4[%swap3A, %swap3A_10, %swap3A_11] : memref<8x1024x256xf32, #tpu.memory_space<vmem>>, vector<1x1024x256xf32>
    %swap3A_13 = vector.shape_cast %swap3A_12 : vector<1x1024x256xf32> to vector<1024x256xf32>
    %swap3A_14 = vector.shape_cast %slice3A : vector<1024x256xf32> to vector<1x1024x256xf32>
    tpu.vector_store %arg4[%swap3A, %swap3A_10, %swap3A_11], %swap3A_14 {strides = array<i32>} : memref<8x1024x256xf32, #tpu.memory_space<vmem>>, vector<1x1024x256xf32>,
    %slice3A_15 = vector.extract_strided_slice %add3A_9 {offsets = [0, 256], sizes = [1024, 256], strides = [1, 1]} : vector<1024x2048xf32> to vector<1024x256xf32>
    %swap3A_16 = arith.constant 1 : index
    %swap3A_17 = arith.constant 0 : index
    %swap3A_18 = arith.constant 0 : index
    %swap3A_19 = vector.load %arg4[%swap3A_16, %swap3A_17, %swap3A_18] : memref<8x1024x256xf32, #tpu.memory_space<vmem>>, vector<1x1024x256xf32>
    %swap3A_20 = vector.shape_cast %swap3A_19 : vector<1x1024x256xf32> to vector<1024x256xf32>
    %swap3A_21 = vector.shape_cast %slice3A_15 : vector<1024x256xf32> to vector<1x1024x256xf32>
    tpu.vector_store %arg4[%swap3A_16, %swap3A_17, %swap3A_18], %swap3A_21 {strides = array<i32>} : memref<8x1024x256xf32, #tpu.memory_space<vmem>>, vector<1x1024x256xf32>,
    %slice3A_22 = vector.extract_strided_slice %add3A_9 {offsets = [0, 512], sizes = [1024, 256], strides = [1, 1]} : vector<1024x2048xf32> to vector<1024x256xf32>
    %swap3A_23 = arith.constant 2 : index
    %swap3A_24 = arith.constant 0 : index
    %swap3A_25 = arith.constant 0 : index
    %swap3A_26 = vector.load %arg4[%swap3A_23, %swap3A_24, %swap3A_25] : memref<8x1024x256xf32, #tpu.memory_space<vmem>>, vector<1x1024x256xf32>
    %swap3A_27 = vector.shape_cast %swap3A_26 : vector<1x1024x256xf32> to vector<1024x256xf32>
    %swap3A_28 = vector.shape_cast %slice3A_22 : vector<1024x256xf32> to vector<1x1024x256xf32>
    tpu.vector_store %arg4[%swap3A_23, %swap3A_24, %swap3A_25], %swap3A_28 {strides = array<i32>} : memref<8x1024x256xf32, #tpu.memory_space<vmem>>, vector<1x1024x256xf32>,
    %slice3A_29 = vector.extract_strided_slice %add3A_9 {offsets = [0, 768], sizes = [1024, 256], strides = [1, 1]} : vector<1024x2048xf32> to vector<1024x256xf32>
    %swap3A_30 = arith.constant 3 : index
    %swap3A_31 = arith.constant 0 : index
    %swap3A_32 = arith.constant 0 : index
    %swap3A_33 = vector.load %arg4[%swap3A_30, %swap3A_31, %swap3A_32] : memref<8x1024x256xf32, #tpu.memory_space<vmem>>, vector<1x1024x256xf32>
    %swap3A_34 = vector.shape_cast %swap3A_33 : vector<1x1024x256xf32> to vector<1024x256xf32>
    %swap3A_35 = vector.shape_cast %slice3A_29 : vector<1024x256xf32> to vector<1x1024x256xf32>
    tpu.vector_store %arg4[%swap3A_30, %swap3A_31, %swap3A_32], %swap3A_35 {strides = array<i32>} : memref<8x1024x256xf32, #tpu.memory_space<vmem>>, vector<1x1024x256xf32>,
    %slice3A_36 = vector.extract_strided_slice %add3A_9 {offsets = [0, 1024], sizes = [1024, 256], strides = [1, 1]} : vector<1024x2048xf32> to vector<1024x256xf32>
    %swap3A_37 = arith.constant 4 : index
    %swap3A_38 = arith.constant 0 : index
    %swap3A_39 = arith.constant 0 : index
    %swap3A_40 = vector.load %arg4[%swap3A_37, %swap3A_38, %swap3A_39] : memref<8x1024x256xf32, #tpu.memory_space<vmem>>, vector<1x1024x256xf32>
    %swap3A_41 = vector.shape_cast %swap3A_40 : vector<1x1024x256xf32> to vector<1024x256xf32>
    %swap3A_42 = vector.shape_cast %slice3A_36 : vector<1024x256xf32> to vector<1x1024x256xf32>
    tpu.vector_store %arg4[%swap3A_37, %swap3A_38, %swap3A_39], %swap3A_42 {strides = array<i32>} : memref<8x1024x256xf32, #tpu.memory_space<vmem>>, vector<1x1024x256xf32>,
    %slice3A_43 = vector.extract_strided_slice %add3A_9 {offsets = [0, 1280], sizes = [1024, 256], strides = [1, 1]} : vector<1024x2048xf32> to vector<1024x256xf32>
    %swap3A_44 = arith.constant 5 : index
    %swap3A_45 = arith.constant 0 : index
    %swap3A_46 = arith.constant 0 : index
    %swap3A_47 = vector.load %arg4[%swap3A_44, %swap3A_45, %swap3A_46] : memref<8x1024x256xf32, #tpu.memory_space<vmem>>, vector<1x1024x256xf32>
    %swap3A_48 = vector.shape_cast %swap3A_47 : vector<1x1024x256xf32> to vector<1024x256xf32>
    %swap3A_49 = vector.shape_cast %slice3A_43 : vector<1024x256xf32> to vector<1x1024x256xf32>
    tpu.vector_store %arg4[%swap3A_44, %swap3A_45, %swap3A_46], %swap3A_49 {strides = array<i32>} : memref<8x1024x256xf32, #tpu.memory_space<vmem>>, vector<1x1024x256xf32>,
    %slice3A_50 = vector.extract_strided_slice %add3A_9 {offsets = [0, 1536], sizes = [1024, 256], strides = [1, 1]} : vector<1024x2048xf32> to vector<1024x256xf32>
    %swap3A_51 = arith.constant 6 : index
    %swap3A_52 = arith.constant 0 : index
    %swap3A_53 = arith.constant 0 : index
    %swap3A_54 = vector.load %arg4[%swap3A_51, %swap3A_52, %swap3A_53] : memref<8x1024x256xf32, #tpu.memory_space<vmem>>, vector<1x1024x256xf32>
    %swap3A_55 = vector.shape_cast %swap3A_54 : vector<1x1024x256xf32> to vector<1024x256xf32>
    %swap3A_56 = vector.shape_cast %slice3A_50 : vector<1024x256xf32> to vector<1x1024x256xf32>
    tpu.vector_store %arg4[%swap3A_51, %swap3A_52, %swap3A_53], %swap3A_56 {strides = array<i32>} : memref<8x1024x256xf32, #tpu.memory_space<vmem>>, vector<1x1024x256xf32>,
    %slice3A_57 = vector.extract_strided_slice %add3A_9 {offsets = [0, 1792], sizes = [1024, 256], strides = [1, 1]} : vector<1024x2048xf32> to vector<1024x256xf32>
    %swap3A_58 = arith.constant 7 : index
    %swap3A_59 = arith.constant 0 : index
    %swap3A_60 = arith.constant 0 : index
    %swap3A_61 = vector.load %arg4[%swap3A_58, %swap3A_59, %swap3A_60] : memref<8x1024x256xf32, #tpu.memory_space<vmem>>, vector<1x1024x256xf32>
    %swap3A_62 = vector.shape_cast %swap3A_61 : vector<1x1024x256xf32> to vector<1024x256xf32>
    %swap3A_63 = vector.shape_cast %slice3A_57 : vector<1024x256xf32> to vector<1x1024x256xf32>
    tpu.vector_store %arg4[%swap3A_58, %swap3A_59, %swap3A_60], %swap3A_63 {strides = array<i32>} : memref<8x1024x256xf32, #tpu.memory_space<vmem>>, vector<1x1024x256xf32>,
    return
  }
  func.func @transform_0(%arg0: i32) -> (i32, i32) {
    %c0_i32 = arith.constant 0 : i32
    %c0_i32_0 = arith.constant 0 : i32
    %c0_i32_1 = arith.constant 0 : i32
    return %c0_i32, %c0_i32_0 : i32, i32
  }
  func.func @transform_1(%arg0: i32) -> (i32, i32) {
    %c0_i32 = arith.constant 0 : i32
    %c0_i32_0 = arith.constant 0 : i32
    return %arg0, %c0_i32 : i32, i32
  }
  func.func @transform_2(%arg0: i32) -> (i32, i32) {
    %c0_i32 = arith.constant 0 : i32
    %c0_i32_0 = arith.constant 0 : i32
    return %arg0, %c0_i32 : i32, i32
  }
  func.func @transform_3(%arg0: i32) -> (i32, i32, i32) {
    %c0_i32 = arith.constant 0 : i32
    %c0_i32_0 = arith.constant 0 : i32
    %c0_i32_1 = arith.constant 0 : i32
    return %c0_i32, %arg0, %c0_i32_0 : i32, i32, i32
  }
}

module attributes {stable_mosaic.version = 14 : i64} {
  func.func @_retrieval_body(%arg0: i32, %arg1: memref<256x512xf32, #tpu.memory_space<vmem>>, %arg2: memref<512x256xf32, #tpu.memory_space<vmem>>, %arg3: memref<8192x256xf32, #tpu.memory_space<vmem>>, %arg4: memref<8192x256xf32, #tpu.memory_space<vmem>>, %arg5: memref<512x1024xf32, #tpu.memory_space<vmem>>, %arg6: memref<256x1024xf32, #tpu.memory_space<vmem>>, %arg7: memref<1x1024xf32, #tpu.memory_space<vmem>>, %arg8: memref<256x1024xbf16, #tpu.memory_space<vmem>>) attributes {dimension_semantics = [#tpu.dimension_semantics<arbitrary>], iteration_bounds = array<i64: 8>, scalar_prefetch = 0 : i64, scratch_operands = 0 : i64, tpu.core_type = #tpu.core_type<tc>, window_params = [{transform_indices = @transform_0, window_bounds = array<i64: 256, 512>}, {pipeline_mode = #tpu.pipeline_mode<synchronous>, transform_indices = @transform_1, window_bounds = array<i64: 512, 256>}, {pipeline_mode = #tpu.pipeline_mode<synchronous>, transform_indices = @transform_2, window_bounds = array<i64: 8192, 256>}, {pipeline_mode = #tpu.pipeline_mode<synchronous>, transform_indices = @transform_3, window_bounds = array<i64: 8192, 256>}, {pipeline_mode = #tpu.pipeline_mode<synchronous>, transform_indices = @transform_4, window_bounds = array<i64: 512, 1024>}, {pipeline_mode = #tpu.pipeline_mode<synchronous>, transform_indices = @transform_5, window_bounds = array<i64: 256, 1024>}, {pipeline_mode = #tpu.pipeline_mode<synchronous>, transform_indices = @transform_6, window_bounds = array<i64: 1, 1024>}, {transform_indices = @transform_7, window_bounds = array<i64: 256, 1024>}]} {
    %get3A = arith.constant 0 : index
    %get3A_0 = arith.constant 0 : index
    %get3A_1 = vector.load %arg1[%get3A, %get3A_0] : memref<256x512xf32, #tpu.memory_space<vmem>>, vector<256x512xf32>
    %get3A_2 = arith.constant 0 : index
    %get3A_3 = arith.constant 0 : index
    %get3A_4 = vector.load %arg2[%get3A_2, %get3A_3] : memref<512x256xf32, #tpu.memory_space<vmem>>, vector<512x256xf32>
    %dot_general3A = arith.constant dense<0.000000e+00> : vector<256x256xf32>
    %dot_general3A_5 = tpu.matmul %get3A_1, %get3A_4, %dot_general3A {dimension_numbers = #tpu.dot_dimension_numbers<[1], [0], [0], [1], [0, 0, 1, 1], [], []>, transpose_lhs_hint = false} : vector<256x512xf32>, vector<512x256xf32>, vector<256x256xf32> -> vector<256x256xf32>
    %get3A_6 = arith.constant 0 : index
    %get3A_7 = arith.constant 0 : index
    %get3A_8 = vector.load %arg3[%get3A_6, %get3A_7] : memref<8192x256xf32, #tpu.memory_space<vmem>>, vector<8192x256xf32>
    %dot_general3A_9 = arith.constant dense<0.000000e+00> : vector<256x8192xf32>
    %dot_general3A_10 = tpu.matmul %dot_general3A_5, %get3A_8, %dot_general3A_9 {dimension_numbers = #tpu.dot_dimension_numbers<[1], [1], [0], [0], [0, 0, 1, 0], [], []>, transpose_lhs_hint = false} : vector<256x256xf32>, vector<8192x256xf32>, vector<256x8192xf32> -> vector<256x8192xf32>
    %slice3A = vector.extract_strided_slice %dot_general3A_10 {offsets = [0, 0], sizes = [256, 512], strides = [1, 1]} : vector<256x8192xf32> to vector<256x512xf32>
    %reduce_max3A = arith.constant dense<0xFF800000> : vector<256xf32>
    %reduce_max3A_11 = vector.multi_reduction <maximumf>, %slice3A, %reduce_max3A [1] : vector<256x512xf32> to vector<256xf32>
    %broadcast_in_dim3A = vector.shape_cast %reduce_max3A_11 : vector<256xf32> to vector<256x1xf32>
    %lt3A = vector.broadcast %broadcast_in_dim3A : vector<256x1xf32> to vector<256x512xf32>
    %lt3A_12 = arith.cmpf olt, %slice3A, %lt3A : vector<256x512xf32>
    %jit3A = arith.constant 0xFF800000 : f32
    %broadcast_in_dim3A_13 = vector.broadcast %jit3A : f32 to vector<256x512xf32>
    %select_n3A = arith.select %lt3A_12, %slice3A, %broadcast_in_dim3A_13 : vector<256x512xi1>, vector<256x512xf32>
    %reduce_max3A_14 = arith.constant dense<0xFF800000> : vector<256xf32>
    %reduce_max3A_15 = vector.multi_reduction <maximumf>, %select_n3A, %reduce_max3A_14 [1] : vector<256x512xf32> to vector<256xf32>
    %broadcast_in_dim3A_16 = vector.shape_cast %reduce_max3A_15 : vector<256xf32> to vector<256x1xf32>
    %lt3A_17 = vector.broadcast %broadcast_in_dim3A_16 : vector<256x1xf32> to vector<256x512xf32>
    %lt3A_18 = arith.cmpf olt, %slice3A, %lt3A_17 : vector<256x512xf32>
    %jit3A_19 = arith.constant 0xFF800000 : f32
    %broadcast_in_dim3A_20 = vector.broadcast %jit3A_19 : f32 to vector<256x512xf32>
    %select_n3A_21 = arith.select %lt3A_18, %slice3A, %broadcast_in_dim3A_20 : vector<256x512xi1>, vector<256x512xf32>
    %reduce_max3A_22 = arith.constant dense<0xFF800000> : vector<256xf32>
    %reduce_max3A_23 = vector.multi_reduction <maximumf>, %select_n3A_21, %reduce_max3A_22 [1] : vector<256x512xf32> to vector<256xf32>
    %broadcast_in_dim3A_24 = vector.shape_cast %reduce_max3A_23 : vector<256xf32> to vector<256x1xf32>
    %lt3A_25 = vector.broadcast %broadcast_in_dim3A_24 : vector<256x1xf32> to vector<256x512xf32>
    %lt3A_26 = arith.cmpf olt, %slice3A, %lt3A_25 : vector<256x512xf32>
    %jit3A_27 = arith.constant 0xFF800000 : f32
    %broadcast_in_dim3A_28 = vector.broadcast %jit3A_27 : f32 to vector<256x512xf32>
    %select_n3A_29 = arith.select %lt3A_26, %slice3A, %broadcast_in_dim3A_28 : vector<256x512xi1>, vector<256x512xf32>
    %reduce_max3A_30 = arith.constant dense<0xFF800000> : vector<256xf32>
    %reduce_max3A_31 = vector.multi_reduction <maximumf>, %select_n3A_29, %reduce_max3A_30 [1] : vector<256x512xf32> to vector<256xf32>
    %broadcast_in_dim3A_32 = vector.shape_cast %reduce_max3A_31 : vector<256xf32> to vector<256x1xf32>
    %slice3A_33 = vector.extract_strided_slice %dot_general3A_10 {offsets = [0, 512], sizes = [256, 512], strides = [1, 1]} : vector<256x8192xf32> to vector<256x512xf32>
    %reduce_max3A_34 = arith.constant dense<0xFF800000> : vector<256xf32>
    %reduce_max3A_35 = vector.multi_reduction <maximumf>, %slice3A_33, %reduce_max3A_34 [1] : vector<256x512xf32> to vector<256xf32>
    %broadcast_in_dim3A_36 = vector.shape_cast %reduce_max3A_35 : vector<256xf32> to vector<256x1xf32>
    %lt3A_37 = vector.broadcast %broadcast_in_dim3A_36 : vector<256x1xf32> to vector<256x512xf32>
    %lt3A_38 = arith.cmpf olt, %slice3A_33, %lt3A_37 : vector<256x512xf32>
    %jit3A_39 = arith.constant 0xFF800000 : f32
    %broadcast_in_dim3A_40 = vector.broadcast %jit3A_39 : f32 to vector<256x512xf32>
    %select_n3A_41 = arith.select %lt3A_38, %slice3A_33, %broadcast_in_dim3A_40 : vector<256x512xi1>, vector<256x512xf32>
    %reduce_max3A_42 = arith.constant dense<0xFF800000> : vector<256xf32>
    %reduce_max3A_43 = vector.multi_reduction <maximumf>, %select_n3A_41, %reduce_max3A_42 [1] : vector<256x512xf32> to vector<256xf32>
    %broadcast_in_dim3A_44 = vector.shape_cast %reduce_max3A_43 : vector<256xf32> to vector<256x1xf32>
    %lt3A_45 = vector.broadcast %broadcast_in_dim3A_44 : vector<256x1xf32> to vector<256x512xf32>
    %lt3A_46 = arith.cmpf olt, %slice3A_33, %lt3A_45 : vector<256x512xf32>
    %jit3A_47 = arith.constant 0xFF800000 : f32
    %broadcast_in_dim3A_48 = vector.broadcast %jit3A_47 : f32 to vector<256x512xf32>
    %select_n3A_49 = arith.select %lt3A_46, %slice3A_33, %broadcast_in_dim3A_48 : vector<256x512xi1>, vector<256x512xf32>
    %reduce_max3A_50 = arith.constant dense<0xFF800000> : vector<256xf32>
    %reduce_max3A_51 = vector.multi_reduction <maximumf>, %select_n3A_49, %reduce_max3A_50 [1] : vector<256x512xf32> to vector<256xf32>
    %broadcast_in_dim3A_52 = vector.shape_cast %reduce_max3A_51 : vector<256xf32> to vector<256x1xf32>
    %lt3A_53 = vector.broadcast %broadcast_in_dim3A_52 : vector<256x1xf32> to vector<256x512xf32>
    %lt3A_54 = arith.cmpf olt, %slice3A_33, %lt3A_53 : vector<256x512xf32>
    %jit3A_55 = arith.constant 0xFF800000 : f32
    %broadcast_in_dim3A_56 = vector.broadcast %jit3A_55 : f32 to vector<256x512xf32>
    %select_n3A_57 = arith.select %lt3A_54, %slice3A_33, %broadcast_in_dim3A_56 : vector<256x512xi1>, vector<256x512xf32>
    %reduce_max3A_58 = arith.constant dense<0xFF800000> : vector<256xf32>
    %reduce_max3A_59 = vector.multi_reduction <maximumf>, %select_n3A_57, %reduce_max3A_58 [1] : vector<256x512xf32> to vector<256xf32>
    %broadcast_in_dim3A_60 = vector.shape_cast %reduce_max3A_59 : vector<256xf32> to vector<256x1xf32>
    %slice3A_61 = vector.extract_strided_slice %dot_general3A_10 {offsets = [0, 1024], sizes = [256, 512], strides = [1, 1]} : vector<256x8192xf32> to vector<256x512xf32>
    %reduce_max3A_62 = arith.constant dense<0xFF800000> : vector<256xf32>
    %reduce_max3A_63 = vector.multi_reduction <maximumf>, %slice3A_61, %reduce_max3A_62 [1] : vector<256x512xf32> to vector<256xf32>
    %broadcast_in_dim3A_64 = vector.shape_cast %reduce_max3A_63 : vector<256xf32> to vector<256x1xf32>
    %lt3A_65 = vector.broadcast %broadcast_in_dim3A_64 : vector<256x1xf32> to vector<256x512xf32>
    %lt3A_66 = arith.cmpf olt, %slice3A_61, %lt3A_65 : vector<256x512xf32>
    %jit3A_67 = arith.constant 0xFF800000 : f32
    %broadcast_in_dim3A_68 = vector.broadcast %jit3A_67 : f32 to vector<256x512xf32>
    %select_n3A_69 = arith.select %lt3A_66, %slice3A_61, %broadcast_in_dim3A_68 : vector<256x512xi1>, vector<256x512xf32>
    %reduce_max3A_70 = arith.constant dense<0xFF800000> : vector<256xf32>
    %reduce_max3A_71 = vector.multi_reduction <maximumf>, %select_n3A_69, %reduce_max3A_70 [1] : vector<256x512xf32> to vector<256xf32>
    %broadcast_in_dim3A_72 = vector.shape_cast %reduce_max3A_71 : vector<256xf32> to vector<256x1xf32>
    %lt3A_73 = vector.broadcast %broadcast_in_dim3A_72 : vector<256x1xf32> to vector<256x512xf32>
    %lt3A_74 = arith.cmpf olt, %slice3A_61, %lt3A_73 : vector<256x512xf32>
    %jit3A_75 = arith.constant 0xFF800000 : f32
    %broadcast_in_dim3A_76 = vector.broadcast %jit3A_75 : f32 to vector<256x512xf32>
    %select_n3A_77 = arith.select %lt3A_74, %slice3A_61, %broadcast_in_dim3A_76 : vector<256x512xi1>, vector<256x512xf32>
    %reduce_max3A_78 = arith.constant dense<0xFF800000> : vector<256xf32>
    %reduce_max3A_79 = vector.multi_reduction <maximumf>, %select_n3A_77, %reduce_max3A_78 [1] : vector<256x512xf32> to vector<256xf32>
    %broadcast_in_dim3A_80 = vector.shape_cast %reduce_max3A_79 : vector<256xf32> to vector<256x1xf32>
    %lt3A_81 = vector.broadcast %broadcast_in_dim3A_80 : vector<256x1xf32> to vector<256x512xf32>
    %lt3A_82 = arith.cmpf olt, %slice3A_61, %lt3A_81 : vector<256x512xf32>
    %jit3A_83 = arith.constant 0xFF800000 : f32
    %broadcast_in_dim3A_84 = vector.broadcast %jit3A_83 : f32 to vector<256x512xf32>
    %select_n3A_85 = arith.select %lt3A_82, %slice3A_61, %broadcast_in_dim3A_84 : vector<256x512xi1>, vector<256x512xf32>
    %reduce_max3A_86 = arith.constant dense<0xFF800000> : vector<256xf32>
    %reduce_max3A_87 = vector.multi_reduction <maximumf>, %select_n3A_85, %reduce_max3A_86 [1] : vector<256x512xf32> to vector<256xf32>
    %broadcast_in_dim3A_88 = vector.shape_cast %reduce_max3A_87 : vector<256xf32> to vector<256x1xf32>
    %slice3A_89 = vector.extract_strided_slice %dot_general3A_10 {offsets = [0, 1536], sizes = [256, 512], strides = [1, 1]} : vector<256x8192xf32> to vector<256x512xf32>
    %reduce_max3A_90 = arith.constant dense<0xFF800000> : vector<256xf32>
    %reduce_max3A_91 = vector.multi_reduction <maximumf>, %slice3A_89, %reduce_max3A_90 [1] : vector<256x512xf32> to vector<256xf32>
    %broadcast_in_dim3A_92 = vector.shape_cast %reduce_max3A_91 : vector<256xf32> to vector<256x1xf32>
    %lt3A_93 = vector.broadcast %broadcast_in_dim3A_92 : vector<256x1xf32> to vector<256x512xf32>
    %lt3A_94 = arith.cmpf olt, %slice3A_89, %lt3A_93 : vector<256x512xf32>
    %jit3A_95 = arith.constant 0xFF800000 : f32
    %broadcast_in_dim3A_96 = vector.broadcast %jit3A_95 : f32 to vector<256x512xf32>
    %select_n3A_97 = arith.select %lt3A_94, %slice3A_89, %broadcast_in_dim3A_96 : vector<256x512xi1>, vector<256x512xf32>
    %reduce_max3A_98 = arith.constant dense<0xFF800000> : vector<256xf32>
    %reduce_max3A_99 = vector.multi_reduction <maximumf>, %select_n3A_97, %reduce_max3A_98 [1] : vector<256x512xf32> to vector<256xf32>
    %broadcast_in_dim3A_100 = vector.shape_cast %reduce_max3A_99 : vector<256xf32> to vector<256x1xf32>
    %lt3A_101 = vector.broadcast %broadcast_in_dim3A_100 : vector<256x1xf32> to vector<256x512xf32>
    %lt3A_102 = arith.cmpf olt, %slice3A_89, %lt3A_101 : vector<256x512xf32>
    %jit3A_103 = arith.constant 0xFF800000 : f32
    %broadcast_in_dim3A_104 = vector.broadcast %jit3A_103 : f32 to vector<256x512xf32>
    %select_n3A_105 = arith.select %lt3A_102, %slice3A_89, %broadcast_in_dim3A_104 : vector<256x512xi1>, vector<256x512xf32>
    %reduce_max3A_106 = arith.constant dense<0xFF800000> : vector<256xf32>
    %reduce_max3A_107 = vector.multi_reduction <maximumf>, %select_n3A_105, %reduce_max3A_106 [1] : vector<256x512xf32> to vector<256xf32>
    %broadcast_in_dim3A_108 = vector.shape_cast %reduce_max3A_107 : vector<256xf32> to vector<256x1xf32>
    %lt3A_109 = vector.broadcast %broadcast_in_dim3A_108 : vector<256x1xf32> to vector<256x512xf32>
    %lt3A_110 = arith.cmpf olt, %slice3A_89, %lt3A_109 : vector<256x512xf32>
    %jit3A_111 = arith.constant 0xFF800000 : f32
    %broadcast_in_dim3A_112 = vector.broadcast %jit3A_111 : f32 to vector<256x512xf32>
    %select_n3A_113 = arith.select %lt3A_110, %slice3A_89, %broadcast_in_dim3A_112 : vector<256x512xi1>, vector<256x512xf32>
    %reduce_max3A_114 = arith.constant dense<0xFF800000> : vector<256xf32>
    %reduce_max3A_115 = vector.multi_reduction <maximumf>, %select_n3A_113, %reduce_max3A_114 [1] : vector<256x512xf32> to vector<256xf32>
    %broadcast_in_dim3A_116 = vector.shape_cast %reduce_max3A_115 : vector<256xf32> to vector<256x1xf32>
    %slice3A_117 = vector.extract_strided_slice %dot_general3A_10 {offsets = [0, 2048], sizes = [256, 512], strides = [1, 1]} : vector<256x8192xf32> to vector<256x512xf32>
    %reduce_max3A_118 = arith.constant dense<0xFF800000> : vector<256xf32>
    %reduce_max3A_119 = vector.multi_reduction <maximumf>, %slice3A_117, %reduce_max3A_118 [1] : vector<256x512xf32> to vector<256xf32>
    %broadcast_in_dim3A_120 = vector.shape_cast %reduce_max3A_119 : vector<256xf32> to vector<256x1xf32>
    %lt3A_121 = vector.broadcast %broadcast_in_dim3A_120 : vector<256x1xf32> to vector<256x512xf32>
    %lt3A_122 = arith.cmpf olt, %slice3A_117, %lt3A_121 : vector<256x512xf32>
    %jit3A_123 = arith.constant 0xFF800000 : f32
    %broadcast_in_dim3A_124 = vector.broadcast %jit3A_123 : f32 to vector<256x512xf32>
    %select_n3A_125 = arith.select %lt3A_122, %slice3A_117, %broadcast_in_dim3A_124 : vector<256x512xi1>, vector<256x512xf32>
    %reduce_max3A_126 = arith.constant dense<0xFF800000> : vector<256xf32>
    %reduce_max3A_127 = vector.multi_reduction <maximumf>, %select_n3A_125, %reduce_max3A_126 [1] : vector<256x512xf32> to vector<256xf32>
    %broadcast_in_dim3A_128 = vector.shape_cast %reduce_max3A_127 : vector<256xf32> to vector<256x1xf32>
    %lt3A_129 = vector.broadcast %broadcast_in_dim3A_128 : vector<256x1xf32> to vector<256x512xf32>
    %lt3A_130 = arith.cmpf olt, %slice3A_117, %lt3A_129 : vector<256x512xf32>
    %jit3A_131 = arith.constant 0xFF800000 : f32
    %broadcast_in_dim3A_132 = vector.broadcast %jit3A_131 : f32 to vector<256x512xf32>
    %select_n3A_133 = arith.select %lt3A_130, %slice3A_117, %broadcast_in_dim3A_132 : vector<256x512xi1>, vector<256x512xf32>
    %reduce_max3A_134 = arith.constant dense<0xFF800000> : vector<256xf32>
    %reduce_max3A_135 = vector.multi_reduction <maximumf>, %select_n3A_133, %reduce_max3A_134 [1] : vector<256x512xf32> to vector<256xf32>
    %broadcast_in_dim3A_136 = vector.shape_cast %reduce_max3A_135 : vector<256xf32> to vector<256x1xf32>
    %lt3A_137 = vector.broadcast %broadcast_in_dim3A_136 : vector<256x1xf32> to vector<256x512xf32>
    %lt3A_138 = arith.cmpf olt, %slice3A_117, %lt3A_137 : vector<256x512xf32>
    %jit3A_139 = arith.constant 0xFF800000 : f32
    %broadcast_in_dim3A_140 = vector.broadcast %jit3A_139 : f32 to vector<256x512xf32>
    %select_n3A_141 = arith.select %lt3A_138, %slice3A_117, %broadcast_in_dim3A_140 : vector<256x512xi1>, vector<256x512xf32>
    %reduce_max3A_142 = arith.constant dense<0xFF800000> : vector<256xf32>
    %reduce_max3A_143 = vector.multi_reduction <maximumf>, %select_n3A_141, %reduce_max3A_142 [1] : vector<256x512xf32> to vector<256xf32>
    %broadcast_in_dim3A_144 = vector.shape_cast %reduce_max3A_143 : vector<256xf32> to vector<256x1xf32>
    %slice3A_145 = vector.extract_strided_slice %dot_general3A_10 {offsets = [0, 2560], sizes = [256, 512], strides = [1, 1]} : vector<256x8192xf32> to vector<256x512xf32>
    %reduce_max3A_146 = arith.constant dense<0xFF800000> : vector<256xf32>
    %reduce_max3A_147 = vector.multi_reduction <maximumf>, %slice3A_145, %reduce_max3A_146 [1] : vector<256x512xf32> to vector<256xf32>
    %broadcast_in_dim3A_148 = vector.shape_cast %reduce_max3A_147 : vector<256xf32> to vector<256x1xf32>
    %lt3A_149 = vector.broadcast %broadcast_in_dim3A_148 : vector<256x1xf32> to vector<256x512xf32>
    %lt3A_150 = arith.cmpf olt, %slice3A_145, %lt3A_149 : vector<256x512xf32>
    %jit3A_151 = arith.constant 0xFF800000 : f32
    %broadcast_in_dim3A_152 = vector.broadcast %jit3A_151 : f32 to vector<256x512xf32>
    %select_n3A_153 = arith.select %lt3A_150, %slice3A_145, %broadcast_in_dim3A_152 : vector<256x512xi1>, vector<256x512xf32>
    %reduce_max3A_154 = arith.constant dense<0xFF800000> : vector<256xf32>
    %reduce_max3A_155 = vector.multi_reduction <maximumf>, %select_n3A_153, %reduce_max3A_154 [1] : vector<256x512xf32> to vector<256xf32>
    %broadcast_in_dim3A_156 = vector.shape_cast %reduce_max3A_155 : vector<256xf32> to vector<256x1xf32>
    %lt3A_157 = vector.broadcast %broadcast_in_dim3A_156 : vector<256x1xf32> to vector<256x512xf32>
    %lt3A_158 = arith.cmpf olt, %slice3A_145, %lt3A_157 : vector<256x512xf32>
    %jit3A_159 = arith.constant 0xFF800000 : f32
    %broadcast_in_dim3A_160 = vector.broadcast %jit3A_159 : f32 to vector<256x512xf32>
    %select_n3A_161 = arith.select %lt3A_158, %slice3A_145, %broadcast_in_dim3A_160 : vector<256x512xi1>, vector<256x512xf32>
    %reduce_max3A_162 = arith.constant dense<0xFF800000> : vector<256xf32>
    %reduce_max3A_163 = vector.multi_reduction <maximumf>, %select_n3A_161, %reduce_max3A_162 [1] : vector<256x512xf32> to vector<256xf32>
    %broadcast_in_dim3A_164 = vector.shape_cast %reduce_max3A_163 : vector<256xf32> to vector<256x1xf32>
    %lt3A_165 = vector.broadcast %broadcast_in_dim3A_164 : vector<256x1xf32> to vector<256x512xf32>
    %lt3A_166 = arith.cmpf olt, %slice3A_145, %lt3A_165 : vector<256x512xf32>
    %jit3A_167 = arith.constant 0xFF800000 : f32
    %broadcast_in_dim3A_168 = vector.broadcast %jit3A_167 : f32 to vector<256x512xf32>
    %select_n3A_169 = arith.select %lt3A_166, %slice3A_145, %broadcast_in_dim3A_168 : vector<256x512xi1>, vector<256x512xf32>
    %reduce_max3A_170 = arith.constant dense<0xFF800000> : vector<256xf32>
    %reduce_max3A_171 = vector.multi_reduction <maximumf>, %select_n3A_169, %reduce_max3A_170 [1] : vector<256x512xf32> to vector<256xf32>
    %broadcast_in_dim3A_172 = vector.shape_cast %reduce_max3A_171 : vector<256xf32> to vector<256x1xf32>
    %slice3A_173 = vector.extract_strided_slice %dot_general3A_10 {offsets = [0, 3072], sizes = [256, 512], strides = [1, 1]} : vector<256x8192xf32> to vector<256x512xf32>
    %reduce_max3A_174 = arith.constant dense<0xFF800000> : vector<256xf32>
    %reduce_max3A_175 = vector.multi_reduction <maximumf>, %slice3A_173, %reduce_max3A_174 [1] : vector<256x512xf32> to vector<256xf32>
    %broadcast_in_dim3A_176 = vector.shape_cast %reduce_max3A_175 : vector<256xf32> to vector<256x1xf32>
    %lt3A_177 = vector.broadcast %broadcast_in_dim3A_176 : vector<256x1xf32> to vector<256x512xf32>
    %lt3A_178 = arith.cmpf olt, %slice3A_173, %lt3A_177 : vector<256x512xf32>
    %jit3A_179 = arith.constant 0xFF800000 : f32
    %broadcast_in_dim3A_180 = vector.broadcast %jit3A_179 : f32 to vector<256x512xf32>
    %select_n3A_181 = arith.select %lt3A_178, %slice3A_173, %broadcast_in_dim3A_180 : vector<256x512xi1>, vector<256x512xf32>
    %reduce_max3A_182 = arith.constant dense<0xFF800000> : vector<256xf32>
    %reduce_max3A_183 = vector.multi_reduction <maximumf>, %select_n3A_181, %reduce_max3A_182 [1] : vector<256x512xf32> to vector<256xf32>
    %broadcast_in_dim3A_184 = vector.shape_cast %reduce_max3A_183 : vector<256xf32> to vector<256x1xf32>
    %lt3A_185 = vector.broadcast %broadcast_in_dim3A_184 : vector<256x1xf32> to vector<256x512xf32>
    %lt3A_186 = arith.cmpf olt, %slice3A_173, %lt3A_185 : vector<256x512xf32>
    %jit3A_187 = arith.constant 0xFF800000 : f32
    %broadcast_in_dim3A_188 = vector.broadcast %jit3A_187 : f32 to vector<256x512xf32>
    %select_n3A_189 = arith.select %lt3A_186, %slice3A_173, %broadcast_in_dim3A_188 : vector<256x512xi1>, vector<256x512xf32>
    %reduce_max3A_190 = arith.constant dense<0xFF800000> : vector<256xf32>
    %reduce_max3A_191 = vector.multi_reduction <maximumf>, %select_n3A_189, %reduce_max3A_190 [1] : vector<256x512xf32> to vector<256xf32>
    %broadcast_in_dim3A_192 = vector.shape_cast %reduce_max3A_191 : vector<256xf32> to vector<256x1xf32>
    %lt3A_193 = vector.broadcast %broadcast_in_dim3A_192 : vector<256x1xf32> to vector<256x512xf32>
    %lt3A_194 = arith.cmpf olt, %slice3A_173, %lt3A_193 : vector<256x512xf32>
    %jit3A_195 = arith.constant 0xFF800000 : f32
    %broadcast_in_dim3A_196 = vector.broadcast %jit3A_195 : f32 to vector<256x512xf32>
    %select_n3A_197 = arith.select %lt3A_194, %slice3A_173, %broadcast_in_dim3A_196 : vector<256x512xi1>, vector<256x512xf32>
    %reduce_max3A_198 = arith.constant dense<0xFF800000> : vector<256xf32>
    %reduce_max3A_199 = vector.multi_reduction <maximumf>, %select_n3A_197, %reduce_max3A_198 [1] : vector<256x512xf32> to vector<256xf32>
    %broadcast_in_dim3A_200 = vector.shape_cast %reduce_max3A_199 : vector<256xf32> to vector<256x1xf32>
    %slice3A_201 = vector.extract_strided_slice %dot_general3A_10 {offsets = [0, 3584], sizes = [256, 512], strides = [1, 1]} : vector<256x8192xf32> to vector<256x512xf32>
    %reduce_max3A_202 = arith.constant dense<0xFF800000> : vector<256xf32>
    %reduce_max3A_203 = vector.multi_reduction <maximumf>, %slice3A_201, %reduce_max3A_202 [1] : vector<256x512xf32> to vector<256xf32>
    %broadcast_in_dim3A_204 = vector.shape_cast %reduce_max3A_203 : vector<256xf32> to vector<256x1xf32>
    %lt3A_205 = vector.broadcast %broadcast_in_dim3A_204 : vector<256x1xf32> to vector<256x512xf32>
    %lt3A_206 = arith.cmpf olt, %slice3A_201, %lt3A_205 : vector<256x512xf32>
    %jit3A_207 = arith.constant 0xFF800000 : f32
    %broadcast_in_dim3A_208 = vector.broadcast %jit3A_207 : f32 to vector<256x512xf32>
    %select_n3A_209 = arith.select %lt3A_206, %slice3A_201, %broadcast_in_dim3A_208 : vector<256x512xi1>, vector<256x512xf32>
    %reduce_max3A_210 = arith.constant dense<0xFF800000> : vector<256xf32>
    %reduce_max3A_211 = vector.multi_reduction <maximumf>, %select_n3A_209, %reduce_max3A_210 [1] : vector<256x512xf32> to vector<256xf32>
    %broadcast_in_dim3A_212 = vector.shape_cast %reduce_max3A_211 : vector<256xf32> to vector<256x1xf32>
    %lt3A_213 = vector.broadcast %broadcast_in_dim3A_212 : vector<256x1xf32> to vector<256x512xf32>
    %lt3A_214 = arith.cmpf olt, %slice3A_201, %lt3A_213 : vector<256x512xf32>
    %jit3A_215 = arith.constant 0xFF800000 : f32
    %broadcast_in_dim3A_216 = vector.broadcast %jit3A_215 : f32 to vector<256x512xf32>
    %select_n3A_217 = arith.select %lt3A_214, %slice3A_201, %broadcast_in_dim3A_216 : vector<256x512xi1>, vector<256x512xf32>
    %reduce_max3A_218 = arith.constant dense<0xFF800000> : vector<256xf32>
    %reduce_max3A_219 = vector.multi_reduction <maximumf>, %select_n3A_217, %reduce_max3A_218 [1] : vector<256x512xf32> to vector<256xf32>
    %broadcast_in_dim3A_220 = vector.shape_cast %reduce_max3A_219 : vector<256xf32> to vector<256x1xf32>
    %lt3A_221 = vector.broadcast %broadcast_in_dim3A_220 : vector<256x1xf32> to vector<256x512xf32>
    %lt3A_222 = arith.cmpf olt, %slice3A_201, %lt3A_221 : vector<256x512xf32>
    %jit3A_223 = arith.constant 0xFF800000 : f32
    %broadcast_in_dim3A_224 = vector.broadcast %jit3A_223 : f32 to vector<256x512xf32>
    %select_n3A_225 = arith.select %lt3A_222, %slice3A_201, %broadcast_in_dim3A_224 : vector<256x512xi1>, vector<256x512xf32>
    %reduce_max3A_226 = arith.constant dense<0xFF800000> : vector<256xf32>
    %reduce_max3A_227 = vector.multi_reduction <maximumf>, %select_n3A_225, %reduce_max3A_226 [1] : vector<256x512xf32> to vector<256xf32>
    %broadcast_in_dim3A_228 = vector.shape_cast %reduce_max3A_227 : vector<256xf32> to vector<256x1xf32>
    %slice3A_229 = vector.extract_strided_slice %dot_general3A_10 {offsets = [0, 4096], sizes = [256, 512], strides = [1, 1]} : vector<256x8192xf32> to vector<256x512xf32>
    %reduce_max3A_230 = arith.constant dense<0xFF800000> : vector<256xf32>
    %reduce_max3A_231 = vector.multi_reduction <maximumf>, %slice3A_229, %reduce_max3A_230 [1] : vector<256x512xf32> to vector<256xf32>
    %broadcast_in_dim3A_232 = vector.shape_cast %reduce_max3A_231 : vector<256xf32> to vector<256x1xf32>
    %lt3A_233 = vector.broadcast %broadcast_in_dim3A_232 : vector<256x1xf32> to vector<256x512xf32>
    %lt3A_234 = arith.cmpf olt, %slice3A_229, %lt3A_233 : vector<256x512xf32>
    %jit3A_235 = arith.constant 0xFF800000 : f32
    %broadcast_in_dim3A_236 = vector.broadcast %jit3A_235 : f32 to vector<256x512xf32>
    %select_n3A_237 = arith.select %lt3A_234, %slice3A_229, %broadcast_in_dim3A_236 : vector<256x512xi1>, vector<256x512xf32>
    %reduce_max3A_238 = arith.constant dense<0xFF800000> : vector<256xf32>
    %reduce_max3A_239 = vector.multi_reduction <maximumf>, %select_n3A_237, %reduce_max3A_238 [1] : vector<256x512xf32> to vector<256xf32>
    %broadcast_in_dim3A_240 = vector.shape_cast %reduce_max3A_239 : vector<256xf32> to vector<256x1xf32>
    %lt3A_241 = vector.broadcast %broadcast_in_dim3A_240 : vector<256x1xf32> to vector<256x512xf32>
    %lt3A_242 = arith.cmpf olt, %slice3A_229, %lt3A_241 : vector<256x512xf32>
    %jit3A_243 = arith.constant 0xFF800000 : f32
    %broadcast_in_dim3A_244 = vector.broadcast %jit3A_243 : f32 to vector<256x512xf32>
    %select_n3A_245 = arith.select %lt3A_242, %slice3A_229, %broadcast_in_dim3A_244 : vector<256x512xi1>, vector<256x512xf32>
    %reduce_max3A_246 = arith.constant dense<0xFF800000> : vector<256xf32>
    %reduce_max3A_247 = vector.multi_reduction <maximumf>, %select_n3A_245, %reduce_max3A_246 [1] : vector<256x512xf32> to vector<256xf32>
    %broadcast_in_dim3A_248 = vector.shape_cast %reduce_max3A_247 : vector<256xf32> to vector<256x1xf32>
    %lt3A_249 = vector.broadcast %broadcast_in_dim3A_248 : vector<256x1xf32> to vector<256x512xf32>
    %lt3A_250 = arith.cmpf olt, %slice3A_229, %lt3A_249 : vector<256x512xf32>
    %jit3A_251 = arith.constant 0xFF800000 : f32
    %broadcast_in_dim3A_252 = vector.broadcast %jit3A_251 : f32 to vector<256x512xf32>
    %select_n3A_253 = arith.select %lt3A_250, %slice3A_229, %broadcast_in_dim3A_252 : vector<256x512xi1>, vector<256x512xf32>
    %reduce_max3A_254 = arith.constant dense<0xFF800000> : vector<256xf32>
    %reduce_max3A_255 = vector.multi_reduction <maximumf>, %select_n3A_253, %reduce_max3A_254 [1] : vector<256x512xf32> to vector<256xf32>
    %broadcast_in_dim3A_256 = vector.shape_cast %reduce_max3A_255 : vector<256xf32> to vector<256x1xf32>
    %slice3A_257 = vector.extract_strided_slice %dot_general3A_10 {offsets = [0, 4608], sizes = [256, 512], strides = [1, 1]} : vector<256x8192xf32> to vector<256x512xf32>
    %reduce_max3A_258 = arith.constant dense<0xFF800000> : vector<256xf32>
    %reduce_max3A_259 = vector.multi_reduction <maximumf>, %slice3A_257, %reduce_max3A_258 [1] : vector<256x512xf32> to vector<256xf32>
    %broadcast_in_dim3A_260 = vector.shape_cast %reduce_max3A_259 : vector<256xf32> to vector<256x1xf32>
    %lt3A_261 = vector.broadcast %broadcast_in_dim3A_260 : vector<256x1xf32> to vector<256x512xf32>
    %lt3A_262 = arith.cmpf olt, %slice3A_257, %lt3A_261 : vector<256x512xf32>
    %jit3A_263 = arith.constant 0xFF800000 : f32
    %broadcast_in_dim3A_264 = vector.broadcast %jit3A_263 : f32 to vector<256x512xf32>
    %select_n3A_265 = arith.select %lt3A_262, %slice3A_257, %broadcast_in_dim3A_264 : vector<256x512xi1>, vector<256x512xf32>
    %reduce_max3A_266 = arith.constant dense<0xFF800000> : vector<256xf32>
    %reduce_max3A_267 = vector.multi_reduction <maximumf>, %select_n3A_265, %reduce_max3A_266 [1] : vector<256x512xf32> to vector<256xf32>
    %broadcast_in_dim3A_268 = vector.shape_cast %reduce_max3A_267 : vector<256xf32> to vector<256x1xf32>
    %lt3A_269 = vector.broadcast %broadcast_in_dim3A_268 : vector<256x1xf32> to vector<256x512xf32>
    %lt3A_270 = arith.cmpf olt, %slice3A_257, %lt3A_269 : vector<256x512xf32>
    %jit3A_271 = arith.constant 0xFF800000 : f32
    %broadcast_in_dim3A_272 = vector.broadcast %jit3A_271 : f32 to vector<256x512xf32>
    %select_n3A_273 = arith.select %lt3A_270, %slice3A_257, %broadcast_in_dim3A_272 : vector<256x512xi1>, vector<256x512xf32>
    %reduce_max3A_274 = arith.constant dense<0xFF800000> : vector<256xf32>
    %reduce_max3A_275 = vector.multi_reduction <maximumf>, %select_n3A_273, %reduce_max3A_274 [1] : vector<256x512xf32> to vector<256xf32>
    %broadcast_in_dim3A_276 = vector.shape_cast %reduce_max3A_275 : vector<256xf32> to vector<256x1xf32>
    %lt3A_277 = vector.broadcast %broadcast_in_dim3A_276 : vector<256x1xf32> to vector<256x512xf32>
    %lt3A_278 = arith.cmpf olt, %slice3A_257, %lt3A_277 : vector<256x512xf32>
    %jit3A_279 = arith.constant 0xFF800000 : f32
    %broadcast_in_dim3A_280 = vector.broadcast %jit3A_279 : f32 to vector<256x512xf32>
    %select_n3A_281 = arith.select %lt3A_278, %slice3A_257, %broadcast_in_dim3A_280 : vector<256x512xi1>, vector<256x512xf32>
    %reduce_max3A_282 = arith.constant dense<0xFF800000> : vector<256xf32>
    %reduce_max3A_283 = vector.multi_reduction <maximumf>, %select_n3A_281, %reduce_max3A_282 [1] : vector<256x512xf32> to vector<256xf32>
    %broadcast_in_dim3A_284 = vector.shape_cast %reduce_max3A_283 : vector<256xf32> to vector<256x1xf32>
    %slice3A_285 = vector.extract_strided_slice %dot_general3A_10 {offsets = [0, 5120], sizes = [256, 512], strides = [1, 1]} : vector<256x8192xf32> to vector<256x512xf32>
    %reduce_max3A_286 = arith.constant dense<0xFF800000> : vector<256xf32>
    %reduce_max3A_287 = vector.multi_reduction <maximumf>, %slice3A_285, %reduce_max3A_286 [1] : vector<256x512xf32> to vector<256xf32>
    %broadcast_in_dim3A_288 = vector.shape_cast %reduce_max3A_287 : vector<256xf32> to vector<256x1xf32>
    %lt3A_289 = vector.broadcast %broadcast_in_dim3A_288 : vector<256x1xf32> to vector<256x512xf32>
    %lt3A_290 = arith.cmpf olt, %slice3A_285, %lt3A_289 : vector<256x512xf32>
    %jit3A_291 = arith.constant 0xFF800000 : f32
    %broadcast_in_dim3A_292 = vector.broadcast %jit3A_291 : f32 to vector<256x512xf32>
    %select_n3A_293 = arith.select %lt3A_290, %slice3A_285, %broadcast_in_dim3A_292 : vector<256x512xi1>, vector<256x512xf32>
    %reduce_max3A_294 = arith.constant dense<0xFF800000> : vector<256xf32>
    %reduce_max3A_295 = vector.multi_reduction <maximumf>, %select_n3A_293, %reduce_max3A_294 [1] : vector<256x512xf32> to vector<256xf32>
    %broadcast_in_dim3A_296 = vector.shape_cast %reduce_max3A_295 : vector<256xf32> to vector<256x1xf32>
    %lt3A_297 = vector.broadcast %broadcast_in_dim3A_296 : vector<256x1xf32> to vector<256x512xf32>
    %lt3A_298 = arith.cmpf olt, %slice3A_285, %lt3A_297 : vector<256x512xf32>
    %jit3A_299 = arith.constant 0xFF800000 : f32
    %broadcast_in_dim3A_300 = vector.broadcast %jit3A_299 : f32 to vector<256x512xf32>
    %select_n3A_301 = arith.select %lt3A_298, %slice3A_285, %broadcast_in_dim3A_300 : vector<256x512xi1>, vector<256x512xf32>
    %reduce_max3A_302 = arith.constant dense<0xFF800000> : vector<256xf32>
    %reduce_max3A_303 = vector.multi_reduction <maximumf>, %select_n3A_301, %reduce_max3A_302 [1] : vector<256x512xf32> to vector<256xf32>
    %broadcast_in_dim3A_304 = vector.shape_cast %reduce_max3A_303 : vector<256xf32> to vector<256x1xf32>
    %lt3A_305 = vector.broadcast %broadcast_in_dim3A_304 : vector<256x1xf32> to vector<256x512xf32>
    %lt3A_306 = arith.cmpf olt, %slice3A_285, %lt3A_305 : vector<256x512xf32>
    %jit3A_307 = arith.constant 0xFF800000 : f32
    %broadcast_in_dim3A_308 = vector.broadcast %jit3A_307 : f32 to vector<256x512xf32>
    %select_n3A_309 = arith.select %lt3A_306, %slice3A_285, %broadcast_in_dim3A_308 : vector<256x512xi1>, vector<256x512xf32>
    %reduce_max3A_310 = arith.constant dense<0xFF800000> : vector<256xf32>
    %reduce_max3A_311 = vector.multi_reduction <maximumf>, %select_n3A_309, %reduce_max3A_310 [1] : vector<256x512xf32> to vector<256xf32>
    %broadcast_in_dim3A_312 = vector.shape_cast %reduce_max3A_311 : vector<256xf32> to vector<256x1xf32>
    %slice3A_313 = vector.extract_strided_slice %dot_general3A_10 {offsets = [0, 5632], sizes = [256, 512], strides = [1, 1]} : vector<256x8192xf32> to vector<256x512xf32>
    %reduce_max3A_314 = arith.constant dense<0xFF800000> : vector<256xf32>
    %reduce_max3A_315 = vector.multi_reduction <maximumf>, %slice3A_313, %reduce_max3A_314 [1] : vector<256x512xf32> to vector<256xf32>
    %broadcast_in_dim3A_316 = vector.shape_cast %reduce_max3A_315 : vector<256xf32> to vector<256x1xf32>
    %lt3A_317 = vector.broadcast %broadcast_in_dim3A_316 : vector<256x1xf32> to vector<256x512xf32>
    %lt3A_318 = arith.cmpf olt, %slice3A_313, %lt3A_317 : vector<256x512xf32>
    %jit3A_319 = arith.constant 0xFF800000 : f32
    %broadcast_in_dim3A_320 = vector.broadcast %jit3A_319 : f32 to vector<256x512xf32>
    %select_n3A_321 = arith.select %lt3A_318, %slice3A_313, %broadcast_in_dim3A_320 : vector<256x512xi1>, vector<256x512xf32>
    %reduce_max3A_322 = arith.constant dense<0xFF800000> : vector<256xf32>
    %reduce_max3A_323 = vector.multi_reduction <maximumf>, %select_n3A_321, %reduce_max3A_322 [1] : vector<256x512xf32> to vector<256xf32>
    %broadcast_in_dim3A_324 = vector.shape_cast %reduce_max3A_323 : vector<256xf32> to vector<256x1xf32>
    %lt3A_325 = vector.broadcast %broadcast_in_dim3A_324 : vector<256x1xf32> to vector<256x512xf32>
    %lt3A_326 = arith.cmpf olt, %slice3A_313, %lt3A_325 : vector<256x512xf32>
    %jit3A_327 = arith.constant 0xFF800000 : f32
    %broadcast_in_dim3A_328 = vector.broadcast %jit3A_327 : f32 to vector<256x512xf32>
    %select_n3A_329 = arith.select %lt3A_326, %slice3A_313, %broadcast_in_dim3A_328 : vector<256x512xi1>, vector<256x512xf32>
    %reduce_max3A_330 = arith.constant dense<0xFF800000> : vector<256xf32>
    %reduce_max3A_331 = vector.multi_reduction <maximumf>, %select_n3A_329, %reduce_max3A_330 [1] : vector<256x512xf32> to vector<256xf32>
    %broadcast_in_dim3A_332 = vector.shape_cast %reduce_max3A_331 : vector<256xf32> to vector<256x1xf32>
    %lt3A_333 = vector.broadcast %broadcast_in_dim3A_332 : vector<256x1xf32> to vector<256x512xf32>
    %lt3A_334 = arith.cmpf olt, %slice3A_313, %lt3A_333 : vector<256x512xf32>
    %jit3A_335 = arith.constant 0xFF800000 : f32
    %broadcast_in_dim3A_336 = vector.broadcast %jit3A_335 : f32 to vector<256x512xf32>
    %select_n3A_337 = arith.select %lt3A_334, %slice3A_313, %broadcast_in_dim3A_336 : vector<256x512xi1>, vector<256x512xf32>
    %reduce_max3A_338 = arith.constant dense<0xFF800000> : vector<256xf32>
    %reduce_max3A_339 = vector.multi_reduction <maximumf>, %select_n3A_337, %reduce_max3A_338 [1] : vector<256x512xf32> to vector<256xf32>
    %broadcast_in_dim3A_340 = vector.shape_cast %reduce_max3A_339 : vector<256xf32> to vector<256x1xf32>
    %slice3A_341 = vector.extract_strided_slice %dot_general3A_10 {offsets = [0, 6144], sizes = [256, 512], strides = [1, 1]} : vector<256x8192xf32> to vector<256x512xf32>
    %reduce_max3A_342 = arith.constant dense<0xFF800000> : vector<256xf32>
    %reduce_max3A_343 = vector.multi_reduction <maximumf>, %slice3A_341, %reduce_max3A_342 [1] : vector<256x512xf32> to vector<256xf32>
    %broadcast_in_dim3A_344 = vector.shape_cast %reduce_max3A_343 : vector<256xf32> to vector<256x1xf32>
    %lt3A_345 = vector.broadcast %broadcast_in_dim3A_344 : vector<256x1xf32> to vector<256x512xf32>
    %lt3A_346 = arith.cmpf olt, %slice3A_341, %lt3A_345 : vector<256x512xf32>
    %jit3A_347 = arith.constant 0xFF800000 : f32
    %broadcast_in_dim3A_348 = vector.broadcast %jit3A_347 : f32 to vector<256x512xf32>
    %select_n3A_349 = arith.select %lt3A_346, %slice3A_341, %broadcast_in_dim3A_348 : vector<256x512xi1>, vector<256x512xf32>
    %reduce_max3A_350 = arith.constant dense<0xFF800000> : vector<256xf32>
    %reduce_max3A_351 = vector.multi_reduction <maximumf>, %select_n3A_349, %reduce_max3A_350 [1] : vector<256x512xf32> to vector<256xf32>
    %broadcast_in_dim3A_352 = vector.shape_cast %reduce_max3A_351 : vector<256xf32> to vector<256x1xf32>
    %lt3A_353 = vector.broadcast %broadcast_in_dim3A_352 : vector<256x1xf32> to vector<256x512xf32>
    %lt3A_354 = arith.cmpf olt, %slice3A_341, %lt3A_353 : vector<256x512xf32>
    %jit3A_355 = arith.constant 0xFF800000 : f32
    %broadcast_in_dim3A_356 = vector.broadcast %jit3A_355 : f32 to vector<256x512xf32>
    %select_n3A_357 = arith.select %lt3A_354, %slice3A_341, %broadcast_in_dim3A_356 : vector<256x512xi1>, vector<256x512xf32>
    %reduce_max3A_358 = arith.constant dense<0xFF800000> : vector<256xf32>
    %reduce_max3A_359 = vector.multi_reduction <maximumf>, %select_n3A_357, %reduce_max3A_358 [1] : vector<256x512xf32> to vector<256xf32>
    %broadcast_in_dim3A_360 = vector.shape_cast %reduce_max3A_359 : vector<256xf32> to vector<256x1xf32>
    %lt3A_361 = vector.broadcast %broadcast_in_dim3A_360 : vector<256x1xf32> to vector<256x512xf32>
    %lt3A_362 = arith.cmpf olt, %slice3A_341, %lt3A_361 : vector<256x512xf32>
    %jit3A_363 = arith.constant 0xFF800000 : f32
    %broadcast_in_dim3A_364 = vector.broadcast %jit3A_363 : f32 to vector<256x512xf32>
    %select_n3A_365 = arith.select %lt3A_362, %slice3A_341, %broadcast_in_dim3A_364 : vector<256x512xi1>, vector<256x512xf32>
    %reduce_max3A_366 = arith.constant dense<0xFF800000> : vector<256xf32>
    %reduce_max3A_367 = vector.multi_reduction <maximumf>, %select_n3A_365, %reduce_max3A_366 [1] : vector<256x512xf32> to vector<256xf32>
    %broadcast_in_dim3A_368 = vector.shape_cast %reduce_max3A_367 : vector<256xf32> to vector<256x1xf32>
    %slice3A_369 = vector.extract_strided_slice %dot_general3A_10 {offsets = [0, 6656], sizes = [256, 512], strides = [1, 1]} : vector<256x8192xf32> to vector<256x512xf32>
    %reduce_max3A_370 = arith.constant dense<0xFF800000> : vector<256xf32>
    %reduce_max3A_371 = vector.multi_reduction <maximumf>, %slice3A_369, %reduce_max3A_370 [1] : vector<256x512xf32> to vector<256xf32>
    %broadcast_in_dim3A_372 = vector.shape_cast %reduce_max3A_371 : vector<256xf32> to vector<256x1xf32>
    %lt3A_373 = vector.broadcast %broadcast_in_dim3A_372 : vector<256x1xf32> to vector<256x512xf32>
    %lt3A_374 = arith.cmpf olt, %slice3A_369, %lt3A_373 : vector<256x512xf32>
    %jit3A_375 = arith.constant 0xFF800000 : f32
    %broadcast_in_dim3A_376 = vector.broadcast %jit3A_375 : f32 to vector<256x512xf32>
    %select_n3A_377 = arith.select %lt3A_374, %slice3A_369, %broadcast_in_dim3A_376 : vector<256x512xi1>, vector<256x512xf32>
    %reduce_max3A_378 = arith.constant dense<0xFF800000> : vector<256xf32>
    %reduce_max3A_379 = vector.multi_reduction <maximumf>, %select_n3A_377, %reduce_max3A_378 [1] : vector<256x512xf32> to vector<256xf32>
    %broadcast_in_dim3A_380 = vector.shape_cast %reduce_max3A_379 : vector<256xf32> to vector<256x1xf32>
    %lt3A_381 = vector.broadcast %broadcast_in_dim3A_380 : vector<256x1xf32> to vector<256x512xf32>
    %lt3A_382 = arith.cmpf olt, %slice3A_369, %lt3A_381 : vector<256x512xf32>
    %jit3A_383 = arith.constant 0xFF800000 : f32
    %broadcast_in_dim3A_384 = vector.broadcast %jit3A_383 : f32 to vector<256x512xf32>
    %select_n3A_385 = arith.select %lt3A_382, %slice3A_369, %broadcast_in_dim3A_384 : vector<256x512xi1>, vector<256x512xf32>
    %reduce_max3A_386 = arith.constant dense<0xFF800000> : vector<256xf32>
    %reduce_max3A_387 = vector.multi_reduction <maximumf>, %select_n3A_385, %reduce_max3A_386 [1] : vector<256x512xf32> to vector<256xf32>
    %broadcast_in_dim3A_388 = vector.shape_cast %reduce_max3A_387 : vector<256xf32> to vector<256x1xf32>
    %lt3A_389 = vector.broadcast %broadcast_in_dim3A_388 : vector<256x1xf32> to vector<256x512xf32>
    %lt3A_390 = arith.cmpf olt, %slice3A_369, %lt3A_389 : vector<256x512xf32>
    %jit3A_391 = arith.constant 0xFF800000 : f32
    %broadcast_in_dim3A_392 = vector.broadcast %jit3A_391 : f32 to vector<256x512xf32>
    %select_n3A_393 = arith.select %lt3A_390, %slice3A_369, %broadcast_in_dim3A_392 : vector<256x512xi1>, vector<256x512xf32>
    %reduce_max3A_394 = arith.constant dense<0xFF800000> : vector<256xf32>
    %reduce_max3A_395 = vector.multi_reduction <maximumf>, %select_n3A_393, %reduce_max3A_394 [1] : vector<256x512xf32> to vector<256xf32>
    %broadcast_in_dim3A_396 = vector.shape_cast %reduce_max3A_395 : vector<256xf32> to vector<256x1xf32>
    %slice3A_397 = vector.extract_strided_slice %dot_general3A_10 {offsets = [0, 7168], sizes = [256, 512], strides = [1, 1]} : vector<256x8192xf32> to vector<256x512xf32>
    %reduce_max3A_398 = arith.constant dense<0xFF800000> : vector<256xf32>
    %reduce_max3A_399 = vector.multi_reduction <maximumf>, %slice3A_397, %reduce_max3A_398 [1] : vector<256x512xf32> to vector<256xf32>
    %broadcast_in_dim3A_400 = vector.shape_cast %reduce_max3A_399 : vector<256xf32> to vector<256x1xf32>
    %lt3A_401 = vector.broadcast %broadcast_in_dim3A_400 : vector<256x1xf32> to vector<256x512xf32>
    %lt3A_402 = arith.cmpf olt, %slice3A_397, %lt3A_401 : vector<256x512xf32>
    %jit3A_403 = arith.constant 0xFF800000 : f32
    %broadcast_in_dim3A_404 = vector.broadcast %jit3A_403 : f32 to vector<256x512xf32>
    %select_n3A_405 = arith.select %lt3A_402, %slice3A_397, %broadcast_in_dim3A_404 : vector<256x512xi1>, vector<256x512xf32>
    %reduce_max3A_406 = arith.constant dense<0xFF800000> : vector<256xf32>
    %reduce_max3A_407 = vector.multi_reduction <maximumf>, %select_n3A_405, %reduce_max3A_406 [1] : vector<256x512xf32> to vector<256xf32>
    %broadcast_in_dim3A_408 = vector.shape_cast %reduce_max3A_407 : vector<256xf32> to vector<256x1xf32>
    %lt3A_409 = vector.broadcast %broadcast_in_dim3A_408 : vector<256x1xf32> to vector<256x512xf32>
    %lt3A_410 = arith.cmpf olt, %slice3A_397, %lt3A_409 : vector<256x512xf32>
    %jit3A_411 = arith.constant 0xFF800000 : f32
    %broadcast_in_dim3A_412 = vector.broadcast %jit3A_411 : f32 to vector<256x512xf32>
    %select_n3A_413 = arith.select %lt3A_410, %slice3A_397, %broadcast_in_dim3A_412 : vector<256x512xi1>, vector<256x512xf32>
    %reduce_max3A_414 = arith.constant dense<0xFF800000> : vector<256xf32>
    %reduce_max3A_415 = vector.multi_reduction <maximumf>, %select_n3A_413, %reduce_max3A_414 [1] : vector<256x512xf32> to vector<256xf32>
    %broadcast_in_dim3A_416 = vector.shape_cast %reduce_max3A_415 : vector<256xf32> to vector<256x1xf32>
    %lt3A_417 = vector.broadcast %broadcast_in_dim3A_416 : vector<256x1xf32> to vector<256x512xf32>
    %lt3A_418 = arith.cmpf olt, %slice3A_397, %lt3A_417 : vector<256x512xf32>
    %jit3A_419 = arith.constant 0xFF800000 : f32
    %broadcast_in_dim3A_420 = vector.broadcast %jit3A_419 : f32 to vector<256x512xf32>
    %select_n3A_421 = arith.select %lt3A_418, %slice3A_397, %broadcast_in_dim3A_420 : vector<256x512xi1>, vector<256x512xf32>
    %reduce_max3A_422 = arith.constant dense<0xFF800000> : vector<256xf32>
    %reduce_max3A_423 = vector.multi_reduction <maximumf>, %select_n3A_421, %reduce_max3A_422 [1] : vector<256x512xf32> to vector<256xf32>
    %broadcast_in_dim3A_424 = vector.shape_cast %reduce_max3A_423 : vector<256xf32> to vector<256x1xf32>
    %slice3A_425 = vector.extract_strided_slice %dot_general3A_10 {offsets = [0, 7680], sizes = [256, 512], strides = [1, 1]} : vector<256x8192xf32> to vector<256x512xf32>
    %reduce_max3A_426 = arith.constant dense<0xFF800000> : vector<256xf32>
    %reduce_max3A_427 = vector.multi_reduction <maximumf>, %slice3A_425, %reduce_max3A_426 [1] : vector<256x512xf32> to vector<256xf32>
    %broadcast_in_dim3A_428 = vector.shape_cast %reduce_max3A_427 : vector<256xf32> to vector<256x1xf32>
    %lt3A_429 = vector.broadcast %broadcast_in_dim3A_428 : vector<256x1xf32> to vector<256x512xf32>
    %lt3A_430 = arith.cmpf olt, %slice3A_425, %lt3A_429 : vector<256x512xf32>
    %jit3A_431 = arith.constant 0xFF800000 : f32
    %broadcast_in_dim3A_432 = vector.broadcast %jit3A_431 : f32 to vector<256x512xf32>
    %select_n3A_433 = arith.select %lt3A_430, %slice3A_425, %broadcast_in_dim3A_432 : vector<256x512xi1>, vector<256x512xf32>
    %reduce_max3A_434 = arith.constant dense<0xFF800000> : vector<256xf32>
    %reduce_max3A_435 = vector.multi_reduction <maximumf>, %select_n3A_433, %reduce_max3A_434 [1] : vector<256x512xf32> to vector<256xf32>
    %broadcast_in_dim3A_436 = vector.shape_cast %reduce_max3A_435 : vector<256xf32> to vector<256x1xf32>
    %lt3A_437 = vector.broadcast %broadcast_in_dim3A_436 : vector<256x1xf32> to vector<256x512xf32>
    %lt3A_438 = arith.cmpf olt, %slice3A_425, %lt3A_437 : vector<256x512xf32>
    %jit3A_439 = arith.constant 0xFF800000 : f32
    %broadcast_in_dim3A_440 = vector.broadcast %jit3A_439 : f32 to vector<256x512xf32>
    %select_n3A_441 = arith.select %lt3A_438, %slice3A_425, %broadcast_in_dim3A_440 : vector<256x512xi1>, vector<256x512xf32>
    %reduce_max3A_442 = arith.constant dense<0xFF800000> : vector<256xf32>
    %reduce_max3A_443 = vector.multi_reduction <maximumf>, %select_n3A_441, %reduce_max3A_442 [1] : vector<256x512xf32> to vector<256xf32>
    %broadcast_in_dim3A_444 = vector.shape_cast %reduce_max3A_443 : vector<256xf32> to vector<256x1xf32>
    %lt3A_445 = vector.broadcast %broadcast_in_dim3A_444 : vector<256x1xf32> to vector<256x512xf32>
    %lt3A_446 = arith.cmpf olt, %slice3A_425, %lt3A_445 : vector<256x512xf32>
    %jit3A_447 = arith.constant 0xFF800000 : f32
    %broadcast_in_dim3A_448 = vector.broadcast %jit3A_447 : f32 to vector<256x512xf32>
    %select_n3A_449 = arith.select %lt3A_446, %slice3A_425, %broadcast_in_dim3A_448 : vector<256x512xi1>, vector<256x512xf32>
    %reduce_max3A_450 = arith.constant dense<0xFF800000> : vector<256xf32>
    %reduce_max3A_451 = vector.multi_reduction <maximumf>, %select_n3A_449, %reduce_max3A_450 [1] : vector<256x512xf32> to vector<256xf32>
    %broadcast_in_dim3A_452 = vector.shape_cast %reduce_max3A_451 : vector<256xf32> to vector<256x1xf32>
    %concatenate3A = tpu.concatenate %broadcast_in_dim3A, %broadcast_in_dim3A_16, %broadcast_in_dim3A_24, %broadcast_in_dim3A_32, %broadcast_in_dim3A_36, %broadcast_in_dim3A_44, %broadcast_in_dim3A_52, %broadcast_in_dim3A_60, %broadcast_in_dim3A_64, %broadcast_in_dim3A_72, %broadcast_in_dim3A_80, %broadcast_in_dim3A_88, %broadcast_in_dim3A_92, %broadcast_in_dim3A_100, %broadcast_in_dim3A_108, %broadcast_in_dim3A_116, %broadcast_in_dim3A_120, %broadcast_in_dim3A_128, %broadcast_in_dim3A_136, %broadcast_in_dim3A_144, %broadcast_in_dim3A_148, %broadcast_in_dim3A_156, %broadcast_in_dim3A_164, %broadcast_in_dim3A_172, %broadcast_in_dim3A_176, %broadcast_in_dim3A_184, %broadcast_in_dim3A_192, %broadcast_in_dim3A_200, %broadcast_in_dim3A_204, %broadcast_in_dim3A_212, %broadcast_in_dim3A_220, %broadcast_in_dim3A_228, %broadcast_in_dim3A_232, %broadcast_in_dim3A_240, %broadcast_in_dim3A_248, %broadcast_in_dim3A_256, %broadcast_in_dim3A_260, %broadcast_in_dim3A_268, %broadcast_in_dim3A_276, %broadcast_in_dim3A_284, %broadcast_in_dim3A_288, %broadcast_in_dim3A_296, %broadcast_in_dim3A_304, %broadcast_in_dim3A_312, %broadcast_in_dim3A_316, %broadcast_in_dim3A_324, %broadcast_in_dim3A_332, %broadcast_in_dim3A_340, %broadcast_in_dim3A_344, %broadcast_in_dim3A_352, %broadcast_in_dim3A_360, %broadcast_in_dim3A_368, %broadcast_in_dim3A_372, %broadcast_in_dim3A_380, %broadcast_in_dim3A_388, %broadcast_in_dim3A_396, %broadcast_in_dim3A_400, %broadcast_in_dim3A_408, %broadcast_in_dim3A_416, %broadcast_in_dim3A_424, %broadcast_in_dim3A_428, %broadcast_in_dim3A_436, %broadcast_in_dim3A_444, %broadcast_in_dim3A_452 in 1 : vector<256x1xf32>, vector<256x1xf32>, vector<256x1xf32>, vector<256x1xf32>, vector<256x1xf32>, vector<256x1xf32>, vector<256x1xf32>, vector<256x1xf32>, vector<256x1xf32>, vector<256x1xf32>, vector<256x1xf32>, vector<256x1xf32>, vector<256x1xf32>, vector<256x1xf32>, vector<256x1xf32>, vector<256x1xf32>, vector<256x1xf32>, vector<256x1xf32>, vector<256x1xf32>, vector<256x1xf32>, vector<256x1xf32>, vector<256x1xf32>, vector<256x1xf32>, vector<256x1xf32>, vector<256x1xf32>, vector<256x1xf32>, vector<256x1xf32>, vector<256x1xf32>, vector<256x1xf32>, vector<256x1xf32>, vector<256x1xf32>, vector<256x1xf32>, vector<256x1xf32>, vector<256x1xf32>, vector<256x1xf32>, vector<256x1xf32>, vector<256x1xf32>, vector<256x1xf32>, vector<256x1xf32>, vector<256x1xf32>, vector<256x1xf32>, vector<256x1xf32>, vector<256x1xf32>, vector<256x1xf32>, vector<256x1xf32>, vector<256x1xf32>, vector<256x1xf32>, vector<256x1xf32>, vector<256x1xf32>, vector<256x1xf32>, vector<256x1xf32>, vector<256x1xf32>, vector<256x1xf32>, vector<256x1xf32>, vector<256x1xf32>, vector<256x1xf32>, vector<256x1xf32>, vector<256x1xf32>, vector<256x1xf32>, vector<256x1xf32>, vector<256x1xf32>, vector<256x1xf32>, vector<256x1xf32>, vector<256x1xf32> -> vector<256x64xf32>
    %reduce_max3A_453 = arith.constant dense<0xFF800000> : vector<256xf32>
    %reduce_max3A_454 = vector.multi_reduction <maximumf>, %concatenate3A, %reduce_max3A_453 [1] : vector<256x64xf32> to vector<256xf32>
    %broadcast_in_dim3A_455 = vector.shape_cast %reduce_max3A_454 : vector<256xf32> to vector<256x1xf32>
    %lt3A_456 = vector.broadcast %broadcast_in_dim3A_455 : vector<256x1xf32> to vector<256x64xf32>
    %lt3A_457 = arith.cmpf olt, %concatenate3A, %lt3A_456 : vector<256x64xf32>
    %jit3A_458 = arith.constant 0xFF800000 : f32
    %broadcast_in_dim3A_459 = vector.broadcast %jit3A_458 : f32 to vector<256x64xf32>
    %select_n3A_460 = arith.select %lt3A_457, %concatenate3A, %broadcast_in_dim3A_459 : vector<256x64xi1>, vector<256x64xf32>
    %reduce_max3A_461 = arith.constant dense<0xFF800000> : vector<256xf32>
    %reduce_max3A_462 = vector.multi_reduction <maximumf>, %select_n3A_460, %reduce_max3A_461 [1] : vector<256x64xf32> to vector<256xf32>
    %broadcast_in_dim3A_463 = vector.shape_cast %reduce_max3A_462 : vector<256xf32> to vector<256x1xf32>
    %lt3A_464 = vector.broadcast %broadcast_in_dim3A_463 : vector<256x1xf32> to vector<256x64xf32>
    %lt3A_465 = arith.cmpf olt, %concatenate3A, %lt3A_464 : vector<256x64xf32>
    %jit3A_466 = arith.constant 0xFF800000 : f32
    %broadcast_in_dim3A_467 = vector.broadcast %jit3A_466 : f32 to vector<256x64xf32>
    %select_n3A_468 = arith.select %lt3A_465, %concatenate3A, %broadcast_in_dim3A_467 : vector<256x64xi1>, vector<256x64xf32>
    %reduce_max3A_469 = arith.constant dense<0xFF800000> : vector<256xf32>
    %reduce_max3A_470 = vector.multi_reduction <maximumf>, %select_n3A_468, %reduce_max3A_469 [1] : vector<256x64xf32> to vector<256xf32>
    %broadcast_in_dim3A_471 = vector.shape_cast %reduce_max3A_470 : vector<256xf32> to vector<256x1xf32>
    %lt3A_472 = vector.broadcast %broadcast_in_dim3A_471 : vector<256x1xf32> to vector<256x64xf32>
    %lt3A_473 = arith.cmpf olt, %concatenate3A, %lt3A_472 : vector<256x64xf32>
    %jit3A_474 = arith.constant 0xFF800000 : f32
    %broadcast_in_dim3A_475 = vector.broadcast %jit3A_474 : f32 to vector<256x64xf32>
    %select_n3A_476 = arith.select %lt3A_473, %concatenate3A, %broadcast_in_dim3A_475 : vector<256x64xi1>, vector<256x64xf32>
    %reduce_max3A_477 = arith.constant dense<0xFF800000> : vector<256xf32>
    %reduce_max3A_478 = vector.multi_reduction <maximumf>, %select_n3A_476, %reduce_max3A_477 [1] : vector<256x64xf32> to vector<256xf32>
    %broadcast_in_dim3A_479 = vector.shape_cast %reduce_max3A_478 : vector<256xf32> to vector<256x1xf32>
    %lt3A_480 = vector.broadcast %broadcast_in_dim3A_479 : vector<256x1xf32> to vector<256x64xf32>
    %lt3A_481 = arith.cmpf olt, %concatenate3A, %lt3A_480 : vector<256x64xf32>
    %jit3A_482 = arith.constant 0xFF800000 : f32
    %broadcast_in_dim3A_483 = vector.broadcast %jit3A_482 : f32 to vector<256x64xf32>
    %select_n3A_484 = arith.select %lt3A_481, %concatenate3A, %broadcast_in_dim3A_483 : vector<256x64xi1>, vector<256x64xf32>
    %reduce_max3A_485 = arith.constant dense<0xFF800000> : vector<256xf32>
    %reduce_max3A_486 = vector.multi_reduction <maximumf>, %select_n3A_484, %reduce_max3A_485 [1] : vector<256x64xf32> to vector<256xf32>
    %broadcast_in_dim3A_487 = vector.shape_cast %reduce_max3A_486 : vector<256xf32> to vector<256x1xf32>
    %lt3A_488 = vector.broadcast %broadcast_in_dim3A_487 : vector<256x1xf32> to vector<256x64xf32>
    %lt3A_489 = arith.cmpf olt, %concatenate3A, %lt3A_488 : vector<256x64xf32>
    %jit3A_490 = arith.constant 0xFF800000 : f32
    %broadcast_in_dim3A_491 = vector.broadcast %jit3A_490 : f32 to vector<256x64xf32>
    %select_n3A_492 = arith.select %lt3A_489, %concatenate3A, %broadcast_in_dim3A_491 : vector<256x64xi1>, vector<256x64xf32>
    %reduce_max3A_493 = arith.constant dense<0xFF800000> : vector<256xf32>
    %reduce_max3A_494 = vector.multi_reduction <maximumf>, %select_n3A_492, %reduce_max3A_493 [1] : vector<256x64xf32> to vector<256xf32>
    %broadcast_in_dim3A_495 = vector.shape_cast %reduce_max3A_494 : vector<256xf32> to vector<256x1xf32>
    %lt3A_496 = vector.broadcast %broadcast_in_dim3A_495 : vector<256x1xf32> to vector<256x64xf32>
    %lt3A_497 = arith.cmpf olt, %concatenate3A, %lt3A_496 : vector<256x64xf32>
    %jit3A_498 = arith.constant 0xFF800000 : f32
    %broadcast_in_dim3A_499 = vector.broadcast %jit3A_498 : f32 to vector<256x64xf32>
    %select_n3A_500 = arith.select %lt3A_497, %concatenate3A, %broadcast_in_dim3A_499 : vector<256x64xi1>, vector<256x64xf32>
    %reduce_max3A_501 = arith.constant dense<0xFF800000> : vector<256xf32>
    %reduce_max3A_502 = vector.multi_reduction <maximumf>, %select_n3A_500, %reduce_max3A_501 [1] : vector<256x64xf32> to vector<256xf32>
    %broadcast_in_dim3A_503 = vector.shape_cast %reduce_max3A_502 : vector<256xf32> to vector<256x1xf32>
    %lt3A_504 = vector.broadcast %broadcast_in_dim3A_503 : vector<256x1xf32> to vector<256x64xf32>
    %lt3A_505 = arith.cmpf olt, %concatenate3A, %lt3A_504 : vector<256x64xf32>
    %jit3A_506 = arith.constant 0xFF800000 : f32
    %broadcast_in_dim3A_507 = vector.broadcast %jit3A_506 : f32 to vector<256x64xf32>
    %select_n3A_508 = arith.select %lt3A_505, %concatenate3A, %broadcast_in_dim3A_507 : vector<256x64xi1>, vector<256x64xf32>
    %reduce_max3A_509 = arith.constant dense<0xFF800000> : vector<256xf32>
    %reduce_max3A_510 = vector.multi_reduction <maximumf>, %select_n3A_508, %reduce_max3A_509 [1] : vector<256x64xf32> to vector<256xf32>
    %broadcast_in_dim3A_511 = vector.shape_cast %reduce_max3A_510 : vector<256xf32> to vector<256x1xf32>
    %ge3A = vector.broadcast %broadcast_in_dim3A_511 : vector<256x1xf32> to vector<256x8192xf32>
    %ge3A_512 = arith.cmpf oge, %dot_general3A_10, %ge3A : vector<256x8192xf32>
    %exp3A = math.exp %dot_general3A_10 : vector<256x8192xf32>
    %jit3A_513 = arith.constant 0.000000e+00 : f32
    %broadcast_in_dim3A_514 = vector.broadcast %jit3A_513 : f32 to vector<256x8192xf32>
    %select_n3A_515 = arith.select %ge3A_512, %exp3A, %broadcast_in_dim3A_514 : vector<256x8192xi1>, vector<256x8192xf32>
    %ge3A_516 = vector.broadcast %broadcast_in_dim3A_511 : vector<256x1xf32> to vector<256x64xf32>
    %ge3A_517 = arith.cmpf oge, %concatenate3A, %ge3A_516 : vector<256x64xf32>
    %exp3A_518 = math.exp %concatenate3A : vector<256x64xf32>
    %jit3A_519 = arith.constant 0.000000e+00 : f32
    %broadcast_in_dim3A_520 = vector.broadcast %jit3A_519 : f32 to vector<256x64xf32>
    %select_n3A_521 = arith.select %ge3A_517, %exp3A_518, %broadcast_in_dim3A_520 : vector<256x64xi1>, vector<256x64xf32>
    %reduce_sum3A = arith.constant dense<0.000000e+00> : vector<256xf32>
    %reduce_sum3A_522 = vector.multi_reduction <add>, %select_n3A_521, %reduce_sum3A [1] : vector<256x64xf32> to vector<256xf32>
    %broadcast_in_dim3A_523 = vector.shape_cast %reduce_sum3A_522 : vector<256xf32> to vector<256x1xf32>
    %get3A_524 = arith.constant 0 : index
    %get3A_525 = arith.constant 0 : index
    %get3A_526 = vector.load %arg4[%get3A_524, %get3A_525] : memref<8192x256xf32, #tpu.memory_space<vmem>>, vector<8192x256xf32>
    %dot_general3A_527 = arith.constant dense<0.000000e+00> : vector<256x256xf32>
    %dot_general3A_528 = tpu.matmul %select_n3A_515, %get3A_526, %dot_general3A_527 {dimension_numbers = #tpu.dot_dimension_numbers<[1], [0], [0], [1], [0, 0, 1, 1], [], []>, transpose_lhs_hint = false} : vector<256x8192xf32>, vector<8192x256xf32>, vector<256x256xf32> -> vector<256x256xf32>
    %div3A = vector.broadcast %broadcast_in_dim3A_523 : vector<256x1xf32> to vector<256x256xf32>
    %div3A_529 = arith.divf %dot_general3A_528, %div3A : vector<256x256xf32>
    %get3A_530 = arith.constant 0 : index
    %get3A_531 = arith.constant 0 : index
    %get3A_532 = vector.load %arg5[%get3A_530, %get3A_531] : memref<512x1024xf32, #tpu.memory_space<vmem>>, vector<512x1024xf32>
    %dot_general3A_533 = arith.constant dense<0.000000e+00> : vector<256x1024xf32>
    %dot_general3A_534 = tpu.matmul %get3A_1, %get3A_532, %dot_general3A_533 {dimension_numbers = #tpu.dot_dimension_numbers<[1], [0], [0], [1], [0, 0, 1, 1], [], []>, transpose_lhs_hint = false} : vector<256x512xf32>, vector<512x1024xf32>, vector<256x1024xf32> -> vector<256x1024xf32>
    %get3A_535 = arith.constant 0 : index
    %get3A_536 = arith.constant 0 : index
    %get3A_537 = vector.load %arg6[%get3A_535, %get3A_536] : memref<256x1024xf32, #tpu.memory_space<vmem>>, vector<256x1024xf32>
    %dot_general3A_538 = arith.constant dense<0.000000e+00> : vector<256x1024xf32>
    %dot_general3A_539 = tpu.matmul %div3A_529, %get3A_537, %dot_general3A_538 {dimension_numbers = #tpu.dot_dimension_numbers<[1], [0], [0], [1], [0, 0, 1, 1], [], []>, transpose_lhs_hint = false} : vector<256x256xf32>, vector<256x1024xf32>, vector<256x1024xf32> -> vector<256x1024xf32>
    %add3A = arith.addf %dot_general3A_534, %dot_general3A_539 : vector<256x1024xf32>
    %get3A_540 = arith.constant 0 : index
    %get3A_541 = arith.constant 0 : index
    %get3A_542 = vector.load %arg7[%get3A_540, %get3A_541] : memref<1x1024xf32, #tpu.memory_space<vmem>>, vector<1x1024xf32>
    %add3A_543 = vector.broadcast %get3A_542 : vector<1x1024xf32> to vector<256x1024xf32>
    %add3A_544 = arith.addf %add3A, %add3A_543 : vector<256x1024xf32>
    %tanh3A = math.tanh %add3A_544 : vector<256x1024xf32>
    %convert_element_type3A = arith.truncf %tanh3A : vector<256x1024xf32> to vector<256x1024xbf16>
    %swap3A = arith.constant 0 : index
    %swap3A_545 = arith.constant 0 : index
    %swap3A_546 = vector.load %arg8[%swap3A, %swap3A_545] : memref<256x1024xbf16, #tpu.memory_space<vmem>>, vector<256x1024xbf16>
    tpu.vector_store %arg8[%swap3A, %swap3A_545], %convert_element_type3A {strides = array<i32>} : memref<256x1024xbf16, #tpu.memory_space<vmem>>, vector<256x1024xbf16>,
    return
  }
  func.func @transform_0(%arg0: i32) -> (i32, i32) {
    %c0_i32 = arith.constant 0 : i32
    %c0_i32_0 = arith.constant 0 : i32
    return %arg0, %c0_i32 : i32, i32
  }
  func.func @transform_1(%arg0: i32) -> (i32, i32) {
    %c0_i32 = arith.constant 0 : i32
    %c0_i32_0 = arith.constant 0 : i32
    %c0_i32_1 = arith.constant 0 : i32
    return %c0_i32, %c0_i32_0 : i32, i32
  }
  func.func @transform_2(%arg0: i32) -> (i32, i32) {
    %c0_i32 = arith.constant 0 : i32
    %c0_i32_0 = arith.constant 0 : i32
    %c0_i32_1 = arith.constant 0 : i32
    return %c0_i32, %c0_i32_0 : i32, i32
  }
  func.func @transform_3(%arg0: i32) -> (i32, i32) {
    %c0_i32 = arith.constant 0 : i32
    %c0_i32_0 = arith.constant 0 : i32
    %c0_i32_1 = arith.constant 0 : i32
    return %c0_i32, %c0_i32_0 : i32, i32
  }
  func.func @transform_4(%arg0: i32) -> (i32, i32) {
    %c0_i32 = arith.constant 0 : i32
    %c0_i32_0 = arith.constant 0 : i32
    %c0_i32_1 = arith.constant 0 : i32
    return %c0_i32, %c0_i32_0 : i32, i32
  }
  func.func @transform_5(%arg0: i32) -> (i32, i32) {
    %c0_i32 = arith.constant 0 : i32
    %c0_i32_0 = arith.constant 0 : i32
    %c0_i32_1 = arith.constant 0 : i32
    return %c0_i32, %c0_i32_0 : i32, i32
  }
  func.func @transform_6(%arg0: i32) -> (i32, i32) {
    %c0_i32 = arith.constant 0 : i32
    %c0_i32_0 = arith.constant 0 : i32
    %c0_i32_1 = arith.constant 0 : i32
    return %c0_i32, %c0_i32_0 : i32, i32
  }
  func.func @transform_7(%arg0: i32) -> (i32, i32) {
    %c0_i32 = arith.constant 0 : i32
    %c0_i32_0 = arith.constant 0 : i32
    return %arg0, %c0_i32 : i32, i32
  }
}

</mosaic_0001>

<sc_bundles>
// kernel: kernel.5.cloned.1.call-start
scs
__scs_entry_jumppad:
0x0: {  	(pc) =	sbr.rel $0x88, $3  }
0x1: {  	(tag) =	ssettag $0x0;
	lr =	simm.s32 $0x1  }
0x2: {  	[smem:$0x3F97] =	sst lr;
	_ =	strace $0xD0000000  }
0x3: {  	_ = 	snop  }
0x4: {  	_ = 	snop  }
0x5: {  	_ = 	snop  }
0x6: {  	_ = 	snop  }
0x7: {  	_ = 	snop  }
__scs_overlays_trampoline_lowered:
0x8: {  	[smem:$0x3FA6] =	sst s0  }
0x9: {  	[smem:$0x3FA7] =	sst s1  }
0xa: {  	[smem:$0x3FA8] =	sst s2  }
0xb: {  	[smem:$0x3FA9] =	sst s3  }
0xc: {  	[smem:$0x3FAA] =	sst s4  }
0xd: {  	[smem:$0x3FAB] =	sst s5  }
0xe: {  	[smem:$0x3FAC] =	sst s6  }
0xf: {  	[smem:$0x3FAD] =	sst s7  }
0x10: {  	[smem:$0x3FAE] =	sst s8  }
0x11: {  	[smem:$0x3FAF] =	sst s9;
	s0 =	simm.s32 @!p0 $0x0  }
0x12: {  	s1 =	sld [smem:$0x3F95];
	s0 =	simm.s32 @p0 $0x1  }
0x13: {  	[smem:$0x3FB0] =	sst s0;
	s0 =	simm.s32 @!p1 $0x0  }
0x14: {  	s2 =	sld [smem:$0x3F94];
	s0 =	simm.s32 @p1 $0x1  }
0x15: {  	[smem:$0x3FB1] =	sst s0;
	s0 =	simm.s32 @!p2 $0x0  }
0x16: {  	s3 =	sld [smem:$0x3FDB];
	s0 =	simm.s32 @p2 $0x1  }
0x17: {  	s4 =	simm.s32 $0x1BF5;
	[smem:$0x3FB3] =	sst s0  }
0x18: {  	s0 =	sld [smem:$0x3F96];
	_ =	swait.ge [sflag:s4], $0x0  }
0x19: {  	s7 =	sld [smem:$0x3F97]  }
0x1a: {  	s8 =	sadd.s32 $0xFFFFE003, lr  }
0x1b: {  	s9 =	sadd.s32 $0xFFFFFEF7, lr;
	s5 =	simm.s32 $0xFFFFFFFF;
	p2 =	slt.u32 s8, $0xFFFFF086  }
0x1c: {  	p1 =	slt.u32 s9, $0xF7A;
	s5 =	simm.s32 @!p2 $0x0  }
0x1d: {  	s5 =	simm.s32 @p1 $0x1;
	p0 =	seq.s32 s7, s2  }
0x1e: {  	s7 =	smul.u32 @!p0 $0xF7A, s2;
	p2 =	seq.s32 @!p0 s5, $0x0  }
0x1f: {  	s9 =	smul.u32 $0xF7A, s1;
	s8 =	simm.s32 @!p0 $0x1BF5;
	p2 =	por !p2, p0  }
0x20: {  	[sflag:s8] =	ssyncset.s32 @!p0 $0xFFFFF086;
	s6 =	sadd.s32 @!p0 s3, s7;
	s7 =	simm.s32 @!p0 $0x108  }
0x21: {  	s3 =	sadd.s32 s3, s9;
	s6 =	sadd.s32 @!p0 $0x88, s6;
	s7 =	simm.s32 @p2 $0x1082  }
0x22: {  	[simem:s7], [sflag:s8] =	dma.local @!p0 [hbm:s6], $0xF7A  }
0x23: {  	s9 =	sor.u32 $0xD0000000, s2;
	s6 =	simm.s32 $0x108;
	_ =	swait.ge @!p0 [sflag:s8], $0x0  }
0x24: {  	s3 =	sadd.s32 $0x88, s3;
	s6 =	simm.s32 @!p1 $0x1082;
	[sflag:s4] =	ssyncset.s32 $0xFFFFF086  }
0x25: {  	[simem:s6], [sflag:s4] =	dma.local [hbm:s3], $0xF7A  }
0x26: {  	[smem:$0x3F97] =	sst s1;
	(tag) =	ssettag s2;
	_ =	strace s9  }
0x27: {  	s1 =	sld [smem:$0x3FA7]  }
0x28: {  	s2 =	sld [smem:$0x3FA8]  }
0x29: {  	s4 =	sld [smem:$0x3FAA]  }
0x2a: {  	p0 =	seq.s32 s5, $0x0;
	s5 =	sld [smem:$0x3FAB]  }
0x2b: {  	s6 =	sld [smem:$0x3FAC]  }
0x2c: {  	s7 =	sld [smem:$0x3FAD]  }
0x2d: {  	s3 =	simm.s32 $0x108;
	s8 =	sld [smem:$0x3FAE]  }
0x2e: {  	s3 =	simm.s32 @!p0 $0x1082;
	s9 =	sld [smem:$0x3FAF]  }
0x2f: {  	lr =	sadd.s32 s0, s3;
	s0 =	sld [smem:$0x3FA6]  }
0x30: {  	s3 =	sld [smem:$0x3FA9]  }
0x31: {  	[smem:$0x3FB2] =	sst s10  }
0x32: {  	s10 =	sld [smem:$0x3FB0];
	_ =	sdelay $0x3  }
0x33: {  	p0 =	seq.s32 s10, $0x1;
	s10 =	sld [smem:$0x3FB2];
	_ =	sdelay $0x3  }
0x34: {  	[smem:$0x3FB2] =	sst s10  }
0x35: {  	s10 =	sld [smem:$0x3FB1];
	_ =	sdelay $0x3  }
0x36: {  	p1 =	seq.s32 s10, $0x1;
	s10 =	sld [smem:$0x3FB2];
	_ =	sdelay $0x3  }
0x37: {  	[smem:$0x3FB2] =	sst s10  }
0x38: {  	s10 =	sld [smem:$0x3FB3]  }
0x39: {  	_ = 	snop;
	(pc) =	sbr.ind lr, $3  }
0x3a: {  	_ = 	snop  }
0x3b: {  	_ = 	snop  }
0x3c: {  	p2 =	seq.s32 s10, $0x1;
	s10 =	sld [smem:$0x3FB2]  }
0x3d: {  	_ =	shalt  }
0x3e: {  	_ =	shalt  }
0x3f: {  	_ =	shalt  }
0x40: {  	_ =	shalt  }
0x41: {  	_ =	shalt  }
0x42: {  	_ =	shalt  }
0x43: {  	_ =	shalt  }
0x44: {  	_ =	shalt  }
0x45: {  	_ =	shalt  }
0x46: {  	_ =	shalt  }
0x47: {  	_ =	shalt  }
0x48: {  	_ =	shalt  }
0x49: {  	_ =	shalt  }
0x4a: {  	_ =	shalt  }
0x4b: {  	_ =	shalt  }
0x4c: {  	_ =	shalt  }
0x4d: {  	_ =	shalt  }
0x4e: {  	_ =	shalt  }
0x4f: {  	_ =	shalt  }
0x50: {  	_ =	shalt  }
0x51: {  	_ =	shalt  }
0x52: {  	_ =	shalt  }
0x53: {  	_ =	shalt  }
0x54: {  	_ =	shalt  }
0x55: {  	_ =	shalt  }
0x56: {  	_ =	shalt  }
0x57: {  	_ =	shalt  }
0x58: {  	_ =	shalt  }
0x59: {  	_ =	shalt  }
0x5a: {  	_ =	shalt  }
0x5b: {  	_ =	shalt  }
0x5c: {  	_ =	shalt  }
0x5d: {  	_ =	shalt  }
0x5e: {  	_ =	shalt  }
0x5f: {  	_ =	shalt  }
0x60: {  	_ =	shalt  }
0x61: {  	_ =	shalt  }
0x62: {  	_ =	shalt  }
0x63: {  	_ =	shalt  }
0x64: {  	_ =	shalt  }
0x65: {  	_ =	shalt  }
0x66: {  	_ =	shalt  }
0x67: {  	_ =	shalt  }
0x68: {  	_ =	shalt  }
0x69: {  	_ =	shalt  }
0x6a: {  	_ =	shalt  }
0x6b: {  	_ =	shalt  }
0x6c: {  	_ =	shalt  }
0x6d: {  	_ =	shalt  }
0x6e: {  	_ =	shalt  }
0x6f: {  	_ =	shalt  }
0x70: {  	_ =	shalt  }
0x71: {  	_ =	shalt  }
0x72: {  	_ =	shalt  }
0x73: {  	_ =	shalt  }
0x74: {  	_ =	shalt  }
0x75: {  	_ =	shalt  }
0x76: {  	_ =	shalt  }
0x77: {  	_ =	shalt  }
0x78: {  	_ =	shalt  }
0x79: {  	_ =	shalt  }
0x7a: {  	_ =	shalt  }
0x7b: {  	_ =	shalt  }
0x7c: {  	_ =	shalt  }
0x7d: {  	_ =	shalt  }
0x7e: {  	_ =	shalt  }
0x7f: {  	_ =	shalt  }
0x80: {  	_ =	shalt  }
0x81: {  	_ =	shalt  }
0x82: {  	_ =	shalt  }
0x83: {  	_ =	shalt  }
0x84: {  	_ =	shalt  }
0x85: {  	_ =	shalt  }
0x86: {  	_ =	shalt  }
0x87: {  	_ =	shalt  }
.Lfunc_end0:
.L_simem_size_0:
called_computation_lowered:
.L_overlay_start_0:
0x88: {  	s2 =	sld [smem:$0x3FD9]  }
0x89: {  	s3 =	sld [smem:$0x3FFE];
	_ =	sdelay $0x1  }
0x8a: {  	s1 =	srdreg.scid  }
0x8b: {  	s0 =	sand.u32 $0x1, s1  }
0x8c: {  	s17 =	sshll.u32 s0, $0xA;
	s2 =	sadd.s32 s3, s2  }
0x8d: {  	s2 =	sadd.s32 s2, s17  }
0x8e: {  	[smem:$0x3FBE] =	sst s2  }
0x8f: {  	_ = 	snop  }
0x90: {  	s2 =	sld [smem:$0x3FC8]  }
0x91: {  	s18 =	sld [smem:$0x3FD0];
	(tm) =	ssettm $0x1  }
0x92: {  	s4 =	sld [smem:$0x3FFB];
	_ =	sdelay $0x3  }
0x93: {  	_ =	strace s4  }
0x94: {  	s4 =	sld [smem:$0x3FFC];
	_ =	sdelay $0x3  }
0x95: {  	_ =	strace s4  }
0x96: {  	s4 =	sld [smem:$0x3FFD];
	_ =	sdelay $0x3  }
0x97: {  	_ =	strace s4  }
0x98: {  	_ =	strace $0x8FFFFFFF  }
0x99: {  	s19 =	sld [smem:$0x3FDB];
	_ =	sdelay $0x1  }
0x9a: {  	s5 =	simm.s32 $_scs_section_size  }
0x9b: {  	s6 =	simm.s32 $_size__tile_overlayer_lowered;
	s7 =	simm.s32 $_tile_overlayer_lowered  }
0x9c: {  	s22 =	simm.s32 $0x1BFF;
	s21 =	sshll.u32 s7, $0x1;
	s4 =	sadd.s32 s5, s19  }
0x9d: {  	s8 =	simm.s32 $0x0;
	s20 =	sshll.u32 s6, $0x1;
	s6 =	sadd.s32 s21, s4  }
0x9e: {  	[timem:s8], [sflag:s22] =	dma.local [hbm:s6], s20  }
0x9f: {  	_ =	swait.ge [sflag:s22], s20  }
0xa0: {  	s5 =	ssub.s32 $0x0, s20;
	[sflag:s22] =	ssyncset.done $0x0  }
0xa1: {  	[sflag:s22] =	ssyncadd.s32 s5;
	_ =	sdelay $0x1  }
0xa2: {  	s23 =	simm.s32 $0x1B8B  }
0xa3: {  	_ =	swait.ge [sflag:s23], $0x1  }
0xa4: {  	[sflag:s23] =	ssyncset.done $0x0  }
0xa5: {  	s25 =	simm.s32 $0x1B8E;
	s24 =	sld [smem:$0x3FFE];
	[sflag:s23] =	ssyncadd.s32 $0xFFFFFFFF  }
0xa6: {  	s26 =	simm.s32 $execute0_lowered;
	[smem:$0x3FD2] =	sst s25  }
0xa7: {  	s6 =	sshll.u32 s26, $0x1;
	_ =	strace $0x80000046;
	[dreg:$0x1] =	wrdreg $0xFFFFFFFF  }
0xa8: {  	s28 =	simm.s32 $_size_execute0_lowered;
	s4 =	sadd.s32 s4, s6;
	[dreg:$0x0] =	wrdreg $0x0  }
0xa9: {  	s6 =	sshll.u32 s28, $0x1;
	[dreg:$0x2] =	wrdreg s4  }
0xaa: {  	[dreg:$0x3] =	wrdreg s6  }
0xab: {  	[dreg:$0x4] =	wrdreg $0xC0  }
0xac: {  	_ =	task [dreg:s8], $0x5FFFF  }
0xad: {  	[dreg:$0x1] =	wrdreg $0xFFFFFFFF  }
0xae: {  	[dreg:$0x0] =	wrdreg $0x60  }
0xaf: {  	[dreg:$0x2] =	wrdreg s2  }
0xb0: {  	[dreg:$0x3] =	wrdreg s24  }
0xb1: {  	[dreg:$0x4] =	wrdreg s18  }
0xb2: {  	[dreg:$0x5] =	wrdreg $0x9  }
0xb3: {  	_ =	task.clear_ibuf [dreg:s8], $0x6FFFF;
	_ =	strace $0x90000046  }
0xb4: {  	s29 =	simm.s32 $0x9;
	_ =	strace $0x80000048  }
0xb5: {  	_ =	swait.ge [sflag:s29], $0x1  }
0xb6: {  	[sflag:s29] =	ssyncadd.s32 $0xFFFFFFFF  }
0xb7: {  	_ =	strace $0x90000048  }
0xb8: {  	_ =	sfence  }
0xb9: {  	s30 =	sld [smem:$0x0];
	_ =	sdelay $0x2  }
0xba: {  	s31 =	sshll.u32 s1, $0xD;
	s1 =	sshrl.u32 s1, $0x2  }
0xbb: {  	s3 =	sand.u32 $0x4000, s31;
	s1 =	sadd.s32 s1, s30  }
0xbc: {  	s0 =	sor.u32 s3, s0;
	s1 =	sshll.u32 s1, $0x11  }
0xbd: {  	s0 =	sor.u32 s1, s0  }
0xbe: {  	s0 =	sadd.s32 $0x8F2B, s0  }
0xbf: {  	[sflag:s0] =	ssyncadd.remote.s32 $0x1  }
0xc0: {  	_ =	sfence.sel $0xFFFF  }
0xc1: {  	[dreg:$0x0] =	wrdreg $0xFFFFFFFF;
	(pc) =	sbr.abs _section_cstart, $3  }
0xc2: {  	[dreg:$0x1] =	wrdreg $0xFFFFFFFF  }
0xc3: {  	_ =	task.clear_ibuf [dreg:s8], $0x2FFFF;
	_ =	strace $0x9FFFFFFF  }
0xc4: {  	(tm) =	ssettm $0x7FFFFFFF  }
0xc5: {  	_ =	shalt  }
tec
execute0_lowered:
.L_overlay_start_1:
0x0: {  	(tag) =	ssettag $0x1  }
0x1: {  	s1 =	rddreg [dreg:$0x0]  }
0x2: {  	s2 =	srdreg.scid;
	s4 =	rddreg [dreg:$0x1]  }
0x3: {  	s0 =	stileid.u32;
	s6 =	rddreg [dreg:$0x2]  }
0x4: {  	s3 =	simm.s32 $0x0;
	s9 =	simm.s32 $0x80;
	s10 =	simm.s32 $0x880  }
0x5: {  	s11 =	simm.s32 $0x1080;
	s12 =	simm.s32 $0x1880;
	s13 =	simm.s32 $0x2080  }
0x6: {  	s14 =	simm.s32 $0x2880;
	s15 =	simm.s32 $0x3080;
	s16 =	simm.s32 $0x3880  }
0x7: {  	s17 =	simm.s32 $0x4080;
	s18 =	simm.s32 $0x4880;
	s19 =	simm.s32 $0x5080  }
0x8: {  	s20 =	simm.s32 $0x5880;
	s21 =	simm.s32 $0x6080;
	s22 =	simm.s32 $0x6880  }
0x9: {  	s23 =	simm.s32 $0x7080;
	s24 =	simm.s32 $0x7880;
	s5 =	sand.u32 $0x1, s2  }
0xa: {  	s7 =	sshll.u32 s0, $0x7;
	s2 =	rddreg [dreg:$0x3];
	s8 =	sshll.u32 s5, $0x6  }
0xb: {  	s25 =	simm.s32 $0x1;
	[smem:$0x7FF] =	sst s3;
	s7 =	sor.u32 s8, s7  }
0xc: {  	s5 =	ssub.s32 $0x2, s5;
	_ =	strace $0x80000047;
	s8 =	sshrl.u32 s7, $0x3  }
0xd: {  	v2 =	vlaneseq.u32;
	s31 =	sshrl.u32 s5, $0x1;
	s7 =	sshll.u32 s7, $0x6;
	s4 =	sadd.s32 s8, s4  }
0xe: {  	vm0 =	vmmov $0xffff;
	v1 =	vshrl.u32 v2, $0x3;
	s8 =	ssub.s32 s5, s31;
	s5 =	sadd.s32 $0x100, s1;
	s6 =	sadd.s32 s6, s7  }
0xf: {  	v0 =	vand.u32 $0x7, v2;
	v2 =	vor.u32 $0x8, v2;
	v1 =	vmul.u32 $0x8, v1;
	s4 =	sadd.s32 $0x1200, s4;
	s7 =	smax.u32 s8, $0x1;
	s8 =	simm.s32 $0x2  }
.LBB2_1:
0x10: {  	[tilespmem:s3], [sflag:$0x2] =	stream.linear.gather [hbm4b:s4+s3], $0x40, $0x38;
	[tilespmem:$0x8080] =	vst v63  }
0x11: {  	_ =	swait.ge [sflag:s8], $0x40  }
0x12: {  	[sflag:s8] =	ssyncset.done $0x0  }
0x13: {  	[sflag:s8] =	ssyncadd.s32 $0xFFFFFFC0  }
0x14: {  	v3 =	vld [tilespmem:$0x0];
	_ =	sdelay $0x4  }
0x15: {  	v4 =	vshll.u32 v3, $0x2  }
0x16: {  	v3 =	vand.u32 $0x7, v3;
	v4 =	vand.u32 $0xFFFFFFE0, v4  }
0x17: {  	v3 =	vor.u32 v3, v4  }
0x18: {  	v4 =	vperm.xlane v3, v0;
	_ =	sdelay $0x1  }
0x19: {  	v4 =	vadd.s32 v1, v4;
	_ =	sdelay $0x1  }
0x1a: {  	v3 =	vperm.xlane v3, v2;
	_ =	sdelay $0x1  }
0x1b: {  	v3 =	vadd.s32 v1, v3  }
0x1c: {  	[tilespmem:s9], [sflag:$0x1] =	stream.indirect_vreg.gather [hbm4b:s1+s3], $0x80, v4, vm0, $0xb8;
	[tilespmem:$0x8080] =	vst v63  }
0x1d: {  	_ = 	snop  }
0x1e: {  	[tilespmem:s10], [sflag:$0x1] =	stream.indirect_vreg.gather [hbm4b:s5+s3], $0x80, v4, vm0, $0xb8;
	[tilespmem:$0x8080] =	vst v63  }
0x1f: {  	_ = 	snop  }
0x20: {  	[tilespmem:s11], [sflag:$0x1] =	stream.indirect_vreg.gather [hbm4b:s1+s3], $0x80, v3, vm0, $0xb8;
	[tilespmem:$0x8080] =	vst v63  }
0x21: {  	_ = 	snop  }
0x22: {  	[tilespmem:s12], [sflag:$0x1] =	stream.indirect_vreg.gather [hbm4b:s5+s3], $0x80, v3, vm0, $0xb8;
	[tilespmem:$0x8080] =	vst v63  }
0x23: {  	v3 =	vld [tilespmem:$0x10];
	_ =	sdelay $0x4  }
0x24: {  	v61 =	vshll.u32 v3, $0x2  }
0x25: {  	v3 =	vand.u32 $0x7, v3;
	v4 =	vand.u32 $0xFFFFFFE0, v61  }
0x26: {  	v3 =	vor.u32 v3, v4  }
0x27: {  	v4 =	vperm.xlane v3, v0;
	_ =	sdelay $0x1  }
0x28: {  	v4 =	vadd.s32 v1, v4;
	_ =	sdelay $0x1  }
0x29: {  	v3 =	vperm.xlane v3, v2;
	_ =	sdelay $0x1  }
0x2a: {  	v3 =	vadd.s32 v1, v3  }
0x2b: {  	[tilespmem:s13], [sflag:$0x1] =	stream.indirect_vreg.gather [hbm4b:s1+s3], $0x80, v4, vm0, $0xb8;
	[tilespmem:$0x8080] =	vst v63  }
0x2c: {  	_ = 	snop  }
0x2d: {  	[tilespmem:s14], [sflag:$0x1] =	stream.indirect_vreg.gather [hbm4b:s5+s3], $0x80, v4, vm0, $0xb8;
	[tilespmem:$0x8080] =	vst v63  }
0x2e: {  	_ = 	snop  }
0x2f: {  	[tilespmem:s15], [sflag:$0x1] =	stream.indirect_vreg.gather [hbm4b:s1+s3], $0x80, v3, vm0, $0xb8;
	[tilespmem:$0x8080] =	vst v63  }
0x30: {  	_ = 	snop  }
0x31: {  	[tilespmem:s16], [sflag:$0x1] =	stream.indirect_vreg.gather [hbm4b:s5+s3], $0x80, v3, vm0, $0xb8;
	[tilespmem:$0x8080] =	vst v63  }
0x32: {  	v3 =	vld [tilespmem:$0x20];
	_ =	sdelay $0x4  }
0x33: {  	v62 =	vshll.u32 v3, $0x2  }
0x34: {  	v3 =	vand.u32 $0x7, v3;
	v4 =	vand.u32 $0xFFFFFFE0, v62  }
0x35: {  	v3 =	vor.u32 v3, v4  }
0x36: {  	v4 =	vperm.xlane v3, v0;
	_ =	sdelay $0x1  }
0x37: {  	v4 =	vadd.s32 v1, v4;
	_ =	sdelay $0x1  }
0x38: {  	v3 =	vperm.xlane v3, v2;
	_ =	sdelay $0x1  }
0x39: {  	v3 =	vadd.s32 v1, v3  }
0x3a: {  	[tilespmem:s17], [sflag:$0x1] =	stream.indirect_vreg.gather [hbm4b:s1+s3], $0x80, v4, vm0, $0xb8;
	[tilespmem:$0x8080] =	vst v63  }
0x3b: {  	_ = 	snop  }
0x3c: {  	[tilespmem:s18], [sflag:$0x1] =	stream.indirect_vreg.gather [hbm4b:s5+s3], $0x80, v4, vm0, $0xb8;
	[tilespmem:$0x8080] =	vst v63  }
0x3d: {  	_ = 	snop  }
0x3e: {  	[tilespmem:s19], [sflag:$0x1] =	stream.indirect_vreg.gather [hbm4b:s1+s3], $0x80, v3, vm0, $0xb8;
	[tilespmem:$0x8080] =	vst v63  }
0x3f: {  	_ = 	snop  }
0x40: {  	[tilespmem:s20], [sflag:$0x1] =	stream.indirect_vreg.gather [hbm4b:s5+s3], $0x80, v3, vm0, $0xb8;
	[tilespmem:$0x8080] =	vst v63  }
0x41: {  	v3 =	vld [tilespmem:$0x30];
	_ =	sdelay $0x4  }
0x42: {  	v63 =	vshll.u32 v3, $0x2  }
0x43: {  	v3 =	vand.u32 $0x7, v3;
	v4 =	vand.u32 $0xFFFFFFE0, v63  }
0x44: {  	v3 =	vor.u32 v3, v4  }
0x45: {  	v4 =	vperm.xlane v3, v0;
	_ =	sdelay $0x1  }
0x46: {  	v4 =	vadd.s32 v1, v4;
	_ =	sdelay $0x1  }
0x47: {  	v3 =	vperm.xlane v3, v2;
	_ =	sdelay $0x1  }
0x48: {  	v3 =	vadd.s32 v1, v3  }
0x49: {  	[tilespmem:s21], [sflag:$0x1] =	stream.indirect_vreg.gather [hbm4b:s1+s3], $0x80, v4, vm0, $0xb8;
	[tilespmem:$0x8080] =	vst v63  }
0x4a: {  	_ = 	snop  }
0x4b: {  	[tilespmem:s22], [sflag:$0x1] =	stream.indirect_vreg.gather [hbm4b:s5+s3], $0x80, v4, vm0, $0xb8;
	[tilespmem:$0x8080] =	vst v63  }
0x4c: {  	_ = 	snop  }
0x4d: {  	[tilespmem:s23], [sflag:$0x1] =	stream.indirect_vreg.gather [hbm4b:s1+s3], $0x80, v3, vm0, $0xb8;
	[tilespmem:$0x8080] =	vst v63  }
0x4e: {  	_ = 	snop  }
0x4f: {  	[tilespmem:s24], [sflag:$0x1] =	stream.indirect_vreg.gather [hbm4b:s5+s3], $0x80, v3, vm0, $0xb8;
	[tilespmem:$0x8080] =	vst v63  }
0x50: {  	_ =	swait.ge [sflag:s25], $0x8000  }
0x51: {  	p0 =	sne.s32 s7, $0x1;
	[sflag:s25] =	ssyncset.done $0x0  }
.Ltmp0:
0x52: {  	[sflag:s25] =	ssyncadd.s32 $0xFFFF8000;
	(pc) =	sbr.rel @p0 .LBB2_1-.Ltmp0, $4  }
0x53: {  	[hbm4b:s6+s3] =	stream.linear.scatter [tilespmem:s9], [sflag:$0x2], $0x8000, $0x38;
	[tilespmem:$0x8080] =	vst v63  }
0x54: {  	_ =	swait.ge [sflag:s8], $0x8000  }
0x55: {  	[sflag:s8] =	ssyncset.done $0x0  }
0x56: {  	s7 =	sadd.s32 $0xFFFFFFFF, s7;
	[sflag:s8] =	ssyncadd.s32 $0xFFFF8000  }
0x57: {  	_ =	sfence.sel $0x180000  }
0x58: {  	[bflag:$0x0] =	sbarrier.arrive $0xFFFF  }
0x59: {  	p0 =	sne.s32 s0, $0x0;
	_ =	strace $0x90000047  }
0x5a: {  	s0 =	sadd.s32 @!p0 $0x100000, s2;
	[bflag:$0x2] =	sbarrier.arrive $0xFFFF  }
0x5b: {  	[sflag:s0] =	ssyncadd.tile.s32 @!p0 $0x1;
	_ =	shalt  }
.Lfunc_end2:
_tile_overlayer_lowered:
.L_overlay_start_2:
0x5c: {  	(tag) =	ssettag $0x2  }
0x5d: {  	s0 =	rddreg [dreg:$0x0];
	s2 =	stileid.u32  }
0x5e: {  	s1 =	rddreg [dreg:$0x1];
	p0 =	sne.s32 s2, $0x0  }
0x5f: {  	s3 =	rddreg [dreg:$0x2];
	[bflag:$0x3] =	sbarrier.arrive $0xFFFF;
	s2 =	simm.s32 @!p0 $0x1C02  }
0x60: {  	[timem:s3], [sflag:s2] =	dma.local @!p0 [hbm:s0], s1  }
0x61: {  	s0 =	simm.s32 @!p0 $0x2  }
0x62: {  	_ =	swait.ge @!p0 [sflag:s0], s1  }
0x63: {  	s1 =	ssub.s32 @!p0 $0x0, s1;
	[sflag:s0] =	ssyncset.done @!p0 $0x0  }
0x64: {  	[sflag:s0] =	ssyncadd.s32 @!p0 s1  }
0x65: {  	[bflag:$0x3] =	sbarrier.arrive $0xFFFF  }
0x66: {  	_ =	shalt  }

</sc_bundles>
